<compile_context>
chip_gen: v7x
topology: tpu7x:2x2x1
jax: 0.10.2.dev20260603
libtpu: 0.0.44.dev20260713+nightly
codegen_flags: <defaults>
</compile_context>

<pallas_src>
import functools

import jax
import jax.numpy as jnp
from jax import lax
from jax.experimental import pallas as pl
from jax.experimental.pallas import tpu as pltpu
from jax.experimental.pallas import tpu_sc as plsc

_NC = 2
_NS = 16
_NW = _NC * _NS
_CHUNK = 128
_D = 128


def _pad_up(v, m):
    return (v + m - 1) // m * m



@functools.lru_cache(maxsize=None)
def _make_deg_kernel(ep, nrows):
    nchunks_w = ep // _CHUNK // _NW
    rows_s = nrows // _NS
    full = rows_s // _CHUNK
    rem = rows_s % _CHUNK
    mesh = plsc.VectorSubcoreMesh(core_axis_name="c", subcore_axis_name="s")

    @functools.partial(
        pl.kernel,
        out_type=jax.ShapeDtypeStruct((_NC, nrows, 16), jnp.float32),
        mesh=mesh,
        scratch_types=[
            pltpu.VMEM((_CHUNK,), jnp.int32),
            pltpu.VMEM((_CHUNK, 16), jnp.float32),
            pltpu.VMEM((_CHUNK, 16), jnp.float32),
            pltpu.VMEM_SHARED((nrows, 16), jnp.float32),
            pltpu.SemaphoreType.DMA,
        ],
    )
    def deg_kernel(dst_hbm, out_hbm, idx_v, ones_v, zero_v, acc_sh, sem):
        cid = lax.axis_index("c")
        sid = lax.axis_index("s")
        wid = sid * _NC + cid
        base = sid * rows_s

        @pl.loop(0, _CHUNK)
        def _fill(i):
            ones_v[i, :] = jnp.ones((16,), jnp.float32)
            zero_v[i, :] = jnp.zeros((16,), jnp.float32)

        @pl.loop(0, full)
        def _zero(i):
            pltpu.sync_copy(zero_v, acc_sh.at[pl.ds(base + i * _CHUNK, _CHUNK)])

        if rem:
            pltpu.sync_copy(zero_v.at[pl.ds(0, rem)],
                            acc_sh.at[pl.ds(base + full * _CHUNK, rem)])
        plsc.subcore_barrier()

        cbase = wid * nchunks_w

        @pl.loop(0, nchunks_w)
        def _body(i):
            pltpu.sync_copy(dst_hbm.at[pl.ds((cbase + i) * _CHUNK, _CHUNK)], idx_v)
            pltpu.sync_copy(ones_v, acc_sh.at[idx_v], add=True)

        plsc.subcore_barrier()
        pltpu.sync_copy(acc_sh.at[pl.ds(base, rows_s)],
                        out_hbm.at[cid, pl.ds(base, rows_s)])

    return deg_kernel


@functools.lru_cache(maxsize=None)
def _make_conv_kernel(ep, nrows):
    nchunks_w = ep // _CHUNK // _NW
    rows_s = nrows // _NS
    full = rows_s // _CHUNK
    rem = rows_s % _CHUNK
    mesh = plsc.VectorSubcoreMesh(core_axis_name="c", subcore_axis_name="s")

    @functools.partial(
        pl.kernel,
        out_type=jax.ShapeDtypeStruct((_NC, nrows, _D), jnp.float32),
        mesh=mesh,
        scratch_types=[
            pltpu.VMEM((_CHUNK,), jnp.int32),
            pltpu.VMEM((_CHUNK,), jnp.int32),
            pltpu.VMEM((_CHUNK, _D), jnp.float32),
            pltpu.VMEM_SHARED((nrows, _D), jnp.float32),
            pltpu.SemaphoreType.DMA,
        ],
    )
    def conv_kernel(tab_hbm, src_hbm, dst_hbm, out_hbm,
                    srcv, dstv, rows_v, acc_sh, sem):
        cid = lax.axis_index("c")
        sid = lax.axis_index("s")
        wid = sid * _NC + cid
        base = sid * rows_s

        @pl.loop(0, _CHUNK)
        def _fill(i):
            for q in range(_D // 16):
                rows_v[i, pl.ds(q * 16, 16)] = jnp.zeros((16,), jnp.float32)

        @pl.loop(0, full)
        def _zero(i):
            pltpu.sync_copy(rows_v, acc_sh.at[pl.ds(base + i * _CHUNK, _CHUNK)])

        if rem:
            pltpu.sync_copy(rows_v.at[pl.ds(0, rem)],
                            acc_sh.at[pl.ds(base + full * _CHUNK, rem)])
        plsc.subcore_barrier()

        cbase = wid * nchunks_w

        @pl.loop(0, nchunks_w)
        def _body(i):
            off = (cbase + i) * _CHUNK
            pltpu.sync_copy(src_hbm.at[pl.ds(off, _CHUNK)], srcv)
            pltpu.sync_copy(dst_hbm.at[pl.ds(off, _CHUNK)], dstv)
            pltpu.async_copy(tab_hbm.at[srcv], rows_v, sem).wait()
            pltpu.sync_copy(rows_v, acc_sh.at[dstv], add=True)

        plsc.subcore_barrier()
        pltpu.sync_copy(acc_sh.at[pl.ds(base, rows_s)],
                        out_hbm.at[cid, pl.ds(base, rows_s)])

    return conv_kernel



def _dinv_of(da_ref, db_ref):
    deg = da_ref[:, 0:1] + db_ref[:, 0:1] + 1.0
    return lax.rsqrt(jnp.maximum(deg, 1.0))


def _stage_a_body(x_ref, wp_ref, bp_ref, w1_ref, da_ref, db_ref, o_ref):
    dinv = _dinv_of(da_ref, db_ref)
    h0 = jnp.dot(x_ref[...], wp_ref[...],
                 preferred_element_type=jnp.float32) + bp_ref[...]
    xw1 = jnp.dot(h0, w1_ref[...], preferred_element_type=jnp.float32)
    o_ref[...] = xw1 * dinv


def _stage_b_body(a0_ref, a1_ref, xws_ref, da_ref, db_ref, b1_ref, w2_ref,
                  o_ref):
    dinv = _dinv_of(da_ref, db_ref)
    s = a0_ref[...] + a1_ref[...] + xws_ref[...]
    h1 = jnp.maximum(dinv * s + b1_ref[...], 0.0)
    o_ref[...] = jnp.dot(h1, w2_ref[...],
                         preferred_element_type=jnp.float32) * dinv


def _stage_c_body(a0_ref, a1_ref, xws_ref, da_ref, db_ref, b2_ref, wl_ref,
                  bl_ref, o_ref):
    dinv = _dinv_of(da_ref, db_ref)
    h2 = dinv * (a0_ref[...] + a1_ref[...] + xws_ref[...]) + b2_ref[...]
    nrm = jnp.sqrt(jnp.sum(h2 * h2, axis=-1, keepdims=True))
    h2n = h2 / jnp.maximum(nrm, 1e-12)
    logits = jnp.dot(h2n, wl_ref[...],
                     preferred_element_type=jnp.float32) + bl_ref[...]
    m = jnp.max(logits, axis=-1, keepdims=True)
    lse = m + jnp.log(jnp.sum(jnp.exp(logits - m), axis=-1, keepdims=True))
    o_ref[...] = logits - lse


def _row_spec(r, c):
    return pl.BlockSpec((r, c), lambda i: (i, 0))


def _rep_spec(r, c):
    return pl.BlockSpec((r, c), lambda i: (0, 0))



def kernel(x, edge_index, W_pre, b_pre, W1, b1, W2, b2, W_lin, b_lin):
    n, d = x.shape
    e = edge_index.shape[1]
    ncls = W_lin.shape[1]
    ep = _pad_up(e, _NW * _CHUNK)
    nrows = _pad_up(n + 1, _NS * 8)

    padv = jnp.full((ep - e,), n, jnp.int32)
    src = jnp.concatenate([edge_index[0], padv])
    dst = jnp.concatenate([edge_index[1], padv])

    deg = _make_deg_kernel(ep, nrows)(dst)
    dega, degb = deg[0, :n, :], deg[1, :n, :]

    rblk = 1000
    grid = (n // rblk,)

    xws1 = pl.pallas_call(
        _stage_a_body,
        grid=grid,
        in_specs=[_row_spec(rblk, d), _rep_spec(d, d), _rep_spec(1, d),
                  _rep_spec(d, d), _row_spec(rblk, 16), _row_spec(rblk, 16)],
        out_specs=_row_spec(rblk, d),
        out_shape=jax.ShapeDtypeStruct((n, d), jnp.float32),
    )(x, W_pre, b_pre.reshape(1, d), W1, dega, degb)

    conv = _make_conv_kernel(ep, nrows)
    zrow = jnp.zeros((1, d), jnp.float32)

    acc1 = conv(jnp.concatenate([xws1, zrow], axis=0), src, dst)
    xws2 = pl.pallas_call(
        _stage_b_body,
        grid=grid,
        in_specs=[_row_spec(rblk, d), _row_spec(rblk, d), _row_spec(rblk, d),
                  _row_spec(rblk, 16), _row_spec(rblk, 16), _rep_spec(1, d),
                  _rep_spec(d, d)],
        out_specs=_row_spec(rblk, d),
        out_shape=jax.ShapeDtypeStruct((n, d), jnp.float32),
    )(acc1[0, :n], acc1[1, :n], xws1, dega, degb, b1.reshape(1, d), W2)

    acc2 = conv(jnp.concatenate([xws2, zrow], axis=0), src, dst)
    out = pl.pallas_call(
        _stage_c_body,
        grid=grid,
        in_specs=[_row_spec(rblk, d), _row_spec(rblk, d), _row_spec(rblk, d),
                  _row_spec(rblk, 16), _row_spec(rblk, 16), _rep_spec(1, d),
                  _rep_spec(d, ncls), _rep_spec(1, ncls)],
        out_specs=_row_spec(rblk, ncls),
        out_shape=jax.ShapeDtypeStruct((n, ncls), jnp.float32),
    )(acc2[0, :n], acc2[1, :n], xws2, dega, degb, b2.reshape(1, d),
      W_lin, b_lin.reshape(1, ncls))

    return out

# --- scband reference (transcript-rebuilt; emitter-appended) ---
"""Pipeline reference for scband-gcn-37666863186201 (READ-ONLY COPY).

The authoritative reference and input builder live on the scoring server;
editing this copy changes nothing except your own understanding.
"""

import jax, jax.numpy as jnp
import numpy as np

N = 10000
E = 320000
D_IN = 128
D_FEAT = 128
D_HID = 128
D_OUT = 128
NUM_CLASS = 40


def _glorot(key, shape):
    fan_in, fan_out = shape[0], shape[1]
    limit = np.sqrt(6.0 / (fan_in + fan_out))
    return jax.random.uniform(key, shape, dtype=jnp.float32, minval=-limit, maxval=limit)


def setup_inputs(seed: int = 0) -> dict:
    key = jax.random.key(seed)
    ks = jax.random.split(key, 12)
    x = jax.random.normal(ks[0], (N, D_IN), dtype=jnp.float32)
    edge_index = jax.random.randint(ks[1], (2, E), 0, N, dtype=jnp.int32)
    W_pre = _glorot(ks[2], (D_IN, D_FEAT))
    b_pre = jnp.zeros((D_FEAT,), dtype=jnp.float32)
    W1 = _glorot(ks[3], (D_FEAT, D_HID))
    b1 = jnp.zeros((D_HID,), dtype=jnp.float32)
    W2 = _glorot(ks[4], (D_HID, D_OUT))
    b2 = jnp.zeros((D_OUT,), dtype=jnp.float32)
    W_lin = _glorot(ks[5], (D_OUT, NUM_CLASS))
    b_lin = jnp.zeros((NUM_CLASS,), dtype=jnp.float32)
    return {"x": x, "edge_index": edge_index, "W_pre": W_pre, "b_pre": b_pre,
            "W1": W1, "b1": b1, "W2": W2, "b2": b2, "W_lin": W_lin, "b_lin": b_lin}


def _gcn_conv(x, edge_index, W, b):
    # GCNConv: out = D^{-1/2} (A + I) D^{-1/2} X W + b
    n = x.shape[0]
    loop = jnp.arange(n, dtype=edge_index.dtype)
    src = jnp.concatenate([edge_index[0], loop])
    dst = jnp.concatenate([edge_index[1], loop])
    deg = jnp.zeros((n,), dtype=x.dtype).at[dst].add(1.0)
    dinv = jax.lax.rsqrt(jnp.maximum(deg, 1.0))
    norm = dinv[src] * dinv[dst]
    xw = x @ W
    msg = jnp.take(xw, src, axis=0) * norm[:, None]
    out = jax.ops.segment_sum(msg, dst, num_segments=n)
    return out + b


def reference(x, edge_index, W_pre, b_pre, W1, b1, W2, b2, W_lin, b_lin):
    # feature_pre linear
    h = x @ W_pre + b_pre
    # conv_first + relu (dropout is identity in eval mode)
    h = _gcn_conv(h, edge_index, W1, b1)
    h = jax.nn.relu(h)
    # layer_num=2 -> no hidden convs
    # conv_out
    h = _gcn_conv(h, edge_index, W2, b2)
    # F.normalize(p=2, dim=-1)
    nrm = jnp.sqrt(jnp.sum(h * h, axis=-1, keepdims=True))
    h = h / jnp.maximum(nrm, 1e-12)
    # final linear + log_softmax (dropout identity in eval)
    h = h @ W_lin + b_lin
    return jax.nn.log_softmax(h, axis=-1)

if __name__ == "__main__":
    import jax
    _d = setup_inputs()
    print(jax.jit(kernel)(*tuple(_d.values())))

</pallas_src>

<mosaic_0001>
#map = affine_map<(d0, d1) -> (0, 0)>
#map1 = affine_map<(d0, d1) -> (0)>
#map2 = affine_map<(d0, d1) -> (0, 0, 0)>
module attributes {stable_mosaic.version = 14 : i64} {
  func.func @conv_kernel(%arg0: i32, %arg1: i32, %arg2: memref<10001x128xf32, #tpu.memory_space<hbm>>, %arg3: memref<323584xi32, #tpu.memory_space<hbm>>, %arg4: memref<323584xi32, #tpu.memory_space<hbm>>, %arg5: memref<2x10112x128xf32, #tpu.memory_space<hbm>>, %arg6: memref<128xi32, #tpu.memory_space<vmem>>, %arg7: memref<128xi32, #tpu.memory_space<vmem>>, %arg8: memref<128x128xf32, #tpu.memory_space<vmem>>, %arg9: memref<10112x128xf32, #tpu.memory_space<vmem_shared>>, %arg10: memref<!tpu.dma_semaphore, #tpu.memory_space<semaphore_mem>>) attributes {dimension_semantics = [#tpu.dimension_semantics<core_parallel>, #tpu.dimension_semantics<subcore_parallel>], iteration_bounds = array<i64: 2, 16>, scalar_prefetch = 0 : i64, scratch_operands = 5 : i64, tpu.core_type = #tpu.core_type<sc_vector_subcore>, window_params = [{transform_indices = #map}, {transform_indices = #map1}, {transform_indices = #map1}, {transform_indices = #map2}]} {
    %mul3A = arith.constant 2 : i32
    %mul3A_0 = arith.muli %arg1, %mul3A : i32
    %add3A = arith.addi %mul3A_0, %arg0 : i32
    %mul3A_1 = arith.constant 632 : i32
    %mul3A_2 = arith.muli %arg1, %mul3A_1 : i32
    %scan3A = arith.constant 0 : i32
    %scan3A_3 = arith.constant 128 : i32
    %scan3A_4 = arith.addi %scan3A, %scan3A_3 : i32
    %scan3A_5 = arith.constant 1 : i32
    scf.for %scan3A_22 = %scan3A to %scan3A_4 step %scan3A_5  : i32 {
      %mul3A_23 = arith.constant 1 : i32
      %mul3A_24 = arith.muli %scan3A_22, %mul3A_23 : i32
      %add3A_25 = arith.constant 0 : i32
      %add3A_26 = arith.addi %add3A_25, %mul3A_24 : i32
      %broadcast_in_dim3A = arith.constant 0.000000e+00 : f32
      %broadcast_in_dim3A_27 = vector.broadcast %broadcast_in_dim3A : f32 to vector<16xf32>
      %swap3A = arith.index_cast %add3A_26 : i32 to index
      %swap3A_28 = arith.constant 0 : index
      %swap3A_29 = tpu.vector_load %arg8[%swap3A, %swap3A_28] {strides = array<i32>} : memref<128x128xf32, #tpu.memory_space<vmem>>, vector<1x16xf32>,
      %swap3A_30 = vector.shape_cast %swap3A_29 : vector<1x16xf32> to vector<16xf32>
      %swap3A_31 = vector.shape_cast %broadcast_in_dim3A_27 : vector<16xf32> to vector<1x16xf32>
      tpu.vector_store %arg8[%swap3A, %swap3A_28], %swap3A_31 {strides = array<i32>} : memref<128x128xf32, #tpu.memory_space<vmem>>, vector<1x16xf32>,
      %broadcast_in_dim3A_32 = arith.constant 0.000000e+00 : f32
      %broadcast_in_dim3A_33 = vector.broadcast %broadcast_in_dim3A_32 : f32 to vector<16xf32>
      %swap3A_34 = arith.index_cast %add3A_26 : i32 to index
      %swap3A_35 = arith.constant 16 : index
      %swap3A_36 = tpu.vector_load %arg8[%swap3A_34, %swap3A_35] {strides = array<i32>} : memref<128x128xf32, #tpu.memory_space<vmem>>, vector<1x16xf32>,
      %swap3A_37 = vector.shape_cast %swap3A_36 : vector<1x16xf32> to vector<16xf32>
      %swap3A_38 = vector.shape_cast %broadcast_in_dim3A_33 : vector<16xf32> to vector<1x16xf32>
      tpu.vector_store %arg8[%swap3A_34, %swap3A_35], %swap3A_38 {strides = array<i32>} : memref<128x128xf32, #tpu.memory_space<vmem>>, vector<1x16xf32>,
      %broadcast_in_dim3A_39 = arith.constant 0.000000e+00 : f32
      %broadcast_in_dim3A_40 = vector.broadcast %broadcast_in_dim3A_39 : f32 to vector<16xf32>
      %swap3A_41 = arith.index_cast %add3A_26 : i32 to index
      %swap3A_42 = arith.constant 32 : index
      %swap3A_43 = tpu.vector_load %arg8[%swap3A_41, %swap3A_42] {strides = array<i32>} : memref<128x128xf32, #tpu.memory_space<vmem>>, vector<1x16xf32>,
      %swap3A_44 = vector.shape_cast %swap3A_43 : vector<1x16xf32> to vector<16xf32>
      %swap3A_45 = vector.shape_cast %broadcast_in_dim3A_40 : vector<16xf32> to vector<1x16xf32>
      tpu.vector_store %arg8[%swap3A_41, %swap3A_42], %swap3A_45 {strides = array<i32>} : memref<128x128xf32, #tpu.memory_space<vmem>>, vector<1x16xf32>,
      %broadcast_in_dim3A_46 = arith.constant 0.000000e+00 : f32
      %broadcast_in_dim3A_47 = vector.broadcast %broadcast_in_dim3A_46 : f32 to vector<16xf32>
      %swap3A_48 = arith.index_cast %add3A_26 : i32 to index
      %swap3A_49 = arith.constant 48 : index
      %swap3A_50 = tpu.vector_load %arg8[%swap3A_48, %swap3A_49] {strides = array<i32>} : memref<128x128xf32, #tpu.memory_space<vmem>>, vector<1x16xf32>,
      %swap3A_51 = vector.shape_cast %swap3A_50 : vector<1x16xf32> to vector<16xf32>
      %swap3A_52 = vector.shape_cast %broadcast_in_dim3A_47 : vector<16xf32> to vector<1x16xf32>
      tpu.vector_store %arg8[%swap3A_48, %swap3A_49], %swap3A_52 {strides = array<i32>} : memref<128x128xf32, #tpu.memory_space<vmem>>, vector<1x16xf32>,
      %broadcast_in_dim3A_53 = arith.constant 0.000000e+00 : f32
      %broadcast_in_dim3A_54 = vector.broadcast %broadcast_in_dim3A_53 : f32 to vector<16xf32>
      %swap3A_55 = arith.index_cast %add3A_26 : i32 to index
      %swap3A_56 = arith.constant 64 : index
      %swap3A_57 = tpu.vector_load %arg8[%swap3A_55, %swap3A_56] {strides = array<i32>} : memref<128x128xf32, #tpu.memory_space<vmem>>, vector<1x16xf32>,
      %swap3A_58 = vector.shape_cast %swap3A_57 : vector<1x16xf32> to vector<16xf32>
      %swap3A_59 = vector.shape_cast %broadcast_in_dim3A_54 : vector<16xf32> to vector<1x16xf32>
      tpu.vector_store %arg8[%swap3A_55, %swap3A_56], %swap3A_59 {strides = array<i32>} : memref<128x128xf32, #tpu.memory_space<vmem>>, vector<1x16xf32>,
      %broadcast_in_dim3A_60 = arith.constant 0.000000e+00 : f32
      %broadcast_in_dim3A_61 = vector.broadcast %broadcast_in_dim3A_60 : f32 to vector<16xf32>
      %swap3A_62 = arith.index_cast %add3A_26 : i32 to index
      %swap3A_63 = arith.constant 80 : index
      %swap3A_64 = tpu.vector_load %arg8[%swap3A_62, %swap3A_63] {strides = array<i32>} : memref<128x128xf32, #tpu.memory_space<vmem>>, vector<1x16xf32>,
      %swap3A_65 = vector.shape_cast %swap3A_64 : vector<1x16xf32> to vector<16xf32>
      %swap3A_66 = vector.shape_cast %broadcast_in_dim3A_61 : vector<16xf32> to vector<1x16xf32>
      tpu.vector_store %arg8[%swap3A_62, %swap3A_63], %swap3A_66 {strides = array<i32>} : memref<128x128xf32, #tpu.memory_space<vmem>>, vector<1x16xf32>,
      %broadcast_in_dim3A_67 = arith.constant 0.000000e+00 : f32
      %broadcast_in_dim3A_68 = vector.broadcast %broadcast_in_dim3A_67 : f32 to vector<16xf32>
      %swap3A_69 = arith.index_cast %add3A_26 : i32 to index
      %swap3A_70 = arith.constant 96 : index
      %swap3A_71 = tpu.vector_load %arg8[%swap3A_69, %swap3A_70] {strides = array<i32>} : memref<128x128xf32, #tpu.memory_space<vmem>>, vector<1x16xf32>,
      %swap3A_72 = vector.shape_cast %swap3A_71 : vector<1x16xf32> to vector<16xf32>
      %swap3A_73 = vector.shape_cast %broadcast_in_dim3A_68 : vector<16xf32> to vector<1x16xf32>
      tpu.vector_store %arg8[%swap3A_69, %swap3A_70], %swap3A_73 {strides = array<i32>} : memref<128x128xf32, #tpu.memory_space<vmem>>, vector<1x16xf32>,
      %broadcast_in_dim3A_74 = arith.constant 0.000000e+00 : f32
      %broadcast_in_dim3A_75 = vector.broadcast %broadcast_in_dim3A_74 : f32 to vector<16xf32>
      %swap3A_76 = arith.index_cast %add3A_26 : i32 to index
      %swap3A_77 = arith.constant 112 : index
      %swap3A_78 = tpu.vector_load %arg8[%swap3A_76, %swap3A_77] {strides = array<i32>} : memref<128x128xf32, #tpu.memory_space<vmem>>, vector<1x16xf32>,
      %swap3A_79 = vector.shape_cast %swap3A_78 : vector<1x16xf32> to vector<16xf32>
      %swap3A_80 = vector.shape_cast %broadcast_in_dim3A_75 : vector<16xf32> to vector<1x16xf32>
      tpu.vector_store %arg8[%swap3A_76, %swap3A_77], %swap3A_80 {strides = array<i32>} : memref<128x128xf32, #tpu.memory_space<vmem>>, vector<1x16xf32>,
    }
    %scan3A_6 = arith.constant 128 : i32
    %scan3A_7 = arith.constant 0 : i32
    %scan3A_8 = arith.constant 4 : i32
    %scan3A_9 = arith.addi %scan3A_7, %scan3A_8 : i32
    %scan3A_10 = arith.constant 1 : i32
    scf.for %scan3A_22 = %scan3A_7 to %scan3A_9 step %scan3A_10  : i32 {
      %mul3A_23 = arith.constant 1 : i32
      %mul3A_24 = arith.muli %scan3A_22, %mul3A_23 : i32
      %add3A_25 = arith.constant 0 : i32
      %add3A_26 = arith.addi %add3A_25, %mul3A_24 : i32
      %mul3A_27 = arith.constant 128 : i32
      %mul3A_28 = arith.muli %add3A_26, %mul3A_27 : i32
      %add3A_29 = arith.addi %mul3A_2, %mul3A_28 : i32
      "tpu.region"() ({
        %run_scoped3A = tpu.sem_alloc : memref<!tpu.dma_semaphore, #tpu.memory_space<semaphore_mem>>
        %dma_start3A = arith.constant 0 : i32
        %dma_start3A_30 = tpu.memref_slice %arg9[%add3A_29, %dma_start3A] : memref<10112x128xf32, #tpu.memory_space<vmem_shared>> -> memref<128x128xf32, #tpu.memory_space<vmem_shared>>
        %dma_start3A_31 = arith.constant 0 : i32
        %dma_start3A_32 = tpu.memref_slice %arg9[%add3A_29, %dma_start3A_31] : memref<10112x128xf32, #tpu.memory_space<vmem_shared>> -> memref<128x128xf32, #tpu.memory_space<vmem_shared>>
        tpu.enqueue_dma source(%arg8 : memref<128x128xf32, #tpu.memory_space<vmem>>) target(%dma_start3A_32 : memref<128x128xf32, #tpu.memory_space<vmem_shared>>) target_semaphore(%run_scoped3A : memref<!tpu.dma_semaphore, #tpu.memory_space<semaphore_mem>>)
        %dma_wait3A = arith.constant 0 : i32
        %dma_wait3A_33 = tpu.memref_slice %arg9[%add3A_29, %dma_wait3A] : memref<10112x128xf32, #tpu.memory_space<vmem_shared>> -> memref<128x128xf32, #tpu.memory_space<vmem_shared>>
        %dma_wait3A_34 = arith.constant 0 : i32
        %dma_wait3A_35 = tpu.memref_slice %arg9[%add3A_29, %dma_wait3A_34] : memref<10112x128xf32, #tpu.memory_space<vmem_shared>> -> memref<128x128xf32, #tpu.memory_space<vmem_shared>>
        tpu.wait_dma2 semaphore(%run_scoped3A : memref<!tpu.dma_semaphore, #tpu.memory_space<semaphore_mem>>) src(%arg8 : memref<128x128xf32, #tpu.memory_space<vmem>>) dst(%dma_wait3A_35 : memref<128x128xf32, #tpu.memory_space<vmem_shared>>)
        tpu.yield
      }) : () -> ()
    }
    %scan3A_11 = arith.constant 4 : i32
    %add3A_12 = arith.constant 512 : i32
    %add3A_13 = arith.addi %mul3A_2, %add3A_12 : i32
    "tpu.region"() ({
      %run_scoped3A = tpu.sem_alloc : memref<!tpu.dma_semaphore, #tpu.memory_space<semaphore_mem>>
      %dma_start3A = arith.constant 0 : i32
      %dma_start3A_22 = arith.constant 0 : i32
      %dma_start3A_23 = tpu.memref_slice %arg8[%dma_start3A, %dma_start3A_22] : memref<128x128xf32, #tpu.memory_space<vmem>> -> memref<120x128xf32, #tpu.memory_space<vmem>>
      %dma_start3A_24 = arith.constant 0 : i32
      %dma_start3A_25 = tpu.memref_slice %arg9[%add3A_13, %dma_start3A_24] : memref<10112x128xf32, #tpu.memory_space<vmem_shared>> -> memref<120x128xf32, #tpu.memory_space<vmem_shared>>
      %dma_start3A_26 = arith.constant 0 : i32
      %dma_start3A_27 = tpu.memref_slice %arg9[%add3A_13, %dma_start3A_26] : memref<10112x128xf32, #tpu.memory_space<vmem_shared>> -> memref<120x128xf32, #tpu.memory_space<vmem_shared>>
      %dma_start3A_28 = arith.constant 0 : i32
      %dma_start3A_29 = arith.constant 0 : i32
      %dma_start3A_30 = tpu.memref_slice %arg8[%dma_start3A_28, %dma_start3A_29] : memref<128x128xf32, #tpu.memory_space<vmem>> -> memref<120x128xf32, #tpu.memory_space<vmem>>
      tpu.enqueue_dma source(%dma_start3A_30 : memref<120x128xf32, #tpu.memory_space<vmem>>) target(%dma_start3A_27 : memref<120x128xf32, #tpu.memory_space<vmem_shared>>) target_semaphore(%run_scoped3A : memref<!tpu.dma_semaphore, #tpu.memory_space<semaphore_mem>>)
      %dma_wait3A = arith.constant 0 : i32
      %dma_wait3A_31 = arith.constant 0 : i32
      %dma_wait3A_32 = tpu.memref_slice %arg8[%dma_wait3A, %dma_wait3A_31] : memref<128x128xf32, #tpu.memory_space<vmem>> -> memref<120x128xf32, #tpu.memory_space<vmem>>
      %dma_wait3A_33 = arith.constant 0 : i32
      %dma_wait3A_34 = tpu.memref_slice %arg9[%add3A_13, %dma_wait3A_33] : memref<10112x128xf32, #tpu.memory_space<vmem_shared>> -> memref<120x128xf32, #tpu.memory_space<vmem_shared>>
      %dma_wait3A_35 = arith.constant 0 : i32
      %dma_wait3A_36 = tpu.memref_slice %arg9[%add3A_13, %dma_wait3A_35] : memref<10112x128xf32, #tpu.memory_space<vmem_shared>> -> memref<120x128xf32, #tpu.memory_space<vmem_shared>>
      %dma_wait3A_37 = arith.constant 0 : i32
      %dma_wait3A_38 = arith.constant 0 : i32
      %dma_wait3A_39 = tpu.memref_slice %arg8[%dma_wait3A_37, %dma_wait3A_38] : memref<128x128xf32, #tpu.memory_space<vmem>> -> memref<120x128xf32, #tpu.memory_space<vmem>>
      tpu.wait_dma2 semaphore(%run_scoped3A : memref<!tpu.dma_semaphore, #tpu.memory_space<semaphore_mem>>) src(%dma_wait3A_39 : memref<120x128xf32, #tpu.memory_space<vmem>>) dst(%dma_wait3A_36 : memref<120x128xf32, #tpu.memory_space<vmem_shared>>)
      tpu.yield
    }) : () -> ()
    %barrier3A = arith.constant 0 : index
    tpu.barrier barrier_id(%barrier3A)
    %mul3A_14 = arith.constant 79 : i32
    %mul3A_15 = arith.muli %add3A, %mul3A_14 : i32
    %scan3A_16 = arith.constant 0 : i32
    %scan3A_17 = arith.constant 79 : i32
    %scan3A_18 = arith.addi %scan3A_16, %scan3A_17 : i32
    %scan3A_19 = arith.constant 1 : i32
    scf.for %scan3A_22 = %scan3A_16 to %scan3A_18 step %scan3A_19  : i32 {
      %mul3A_23 = arith.constant 1 : i32
      %mul3A_24 = arith.muli %scan3A_22, %mul3A_23 : i32
      %add3A_25 = arith.constant 0 : i32
      %add3A_26 = arith.addi %add3A_25, %mul3A_24 : i32
      %add3A_27 = arith.addi %mul3A_15, %add3A_26 : i32
      %mul3A_28 = arith.constant 128 : i32
      %mul3A_29 = arith.muli %add3A_27, %mul3A_28 : i32
      "tpu.region"() ({
        %run_scoped3A = tpu.sem_alloc : memref<!tpu.dma_semaphore, #tpu.memory_space<semaphore_mem>>
        %dma_start3A_34 = tpu.memref_slice %arg3[%mul3A_29] : memref<323584xi32, #tpu.memory_space<hbm>> -> memref<128xi32, #tpu.memory_space<hbm>>
        %dma_start3A_35 = tpu.memref_slice %arg3[%mul3A_29] : memref<323584xi32, #tpu.memory_space<hbm>> -> memref<128xi32, #tpu.memory_space<hbm>>
        tpu.enqueue_dma source(%dma_start3A_35 : memref<128xi32, #tpu.memory_space<hbm>>) target(%arg6 : memref<128xi32, #tpu.memory_space<vmem>>) target_semaphore(%run_scoped3A : memref<!tpu.dma_semaphore, #tpu.memory_space<semaphore_mem>>)
        %dma_wait3A_36 = tpu.memref_slice %arg3[%mul3A_29] : memref<323584xi32, #tpu.memory_space<hbm>> -> memref<128xi32, #tpu.memory_space<hbm>>
        %dma_wait3A_37 = tpu.memref_slice %arg3[%mul3A_29] : memref<323584xi32, #tpu.memory_space<hbm>> -> memref<128xi32, #tpu.memory_space<hbm>>
        tpu.wait_dma2 semaphore(%run_scoped3A : memref<!tpu.dma_semaphore, #tpu.memory_space<semaphore_mem>>) src(%dma_wait3A_37 : memref<128xi32, #tpu.memory_space<hbm>>) dst(%arg6 : memref<128xi32, #tpu.memory_space<vmem>>)
        tpu.yield
      }) : () -> ()
      "tpu.region"() ({
        %run_scoped3A = tpu.sem_alloc : memref<!tpu.dma_semaphore, #tpu.memory_space<semaphore_mem>>
        %dma_start3A_34 = tpu.memref_slice %arg4[%mul3A_29] : memref<323584xi32, #tpu.memory_space<hbm>> -> memref<128xi32, #tpu.memory_space<hbm>>
        %dma_start3A_35 = tpu.memref_slice %arg4[%mul3A_29] : memref<323584xi32, #tpu.memory_space<hbm>> -> memref<128xi32, #tpu.memory_space<hbm>>
        tpu.enqueue_dma source(%dma_start3A_35 : memref<128xi32, #tpu.memory_space<hbm>>) target(%arg7 : memref<128xi32, #tpu.memory_space<vmem>>) target_semaphore(%run_scoped3A : memref<!tpu.dma_semaphore, #tpu.memory_space<semaphore_mem>>)
        %dma_wait3A_36 = tpu.memref_slice %arg4[%mul3A_29] : memref<323584xi32, #tpu.memory_space<hbm>> -> memref<128xi32, #tpu.memory_space<hbm>>
        %dma_wait3A_37 = tpu.memref_slice %arg4[%mul3A_29] : memref<323584xi32, #tpu.memory_space<hbm>> -> memref<128xi32, #tpu.memory_space<hbm>>
        tpu.wait_dma2 semaphore(%run_scoped3A : memref<!tpu.dma_semaphore, #tpu.memory_space<semaphore_mem>>) src(%dma_wait3A_37 : memref<128xi32, #tpu.memory_space<hbm>>) dst(%arg7 : memref<128xi32, #tpu.memory_space<vmem>>)
        tpu.yield
      }) : () -> ()
      %dma_start3A = arith.constant 0 : i32
      %dma_start3A_30 = arith.constant 0 : i32
      %dma_start3A_31 = tpu.memref_slice %arg2[%dma_start3A, %dma_start3A_30] : memref<10001x128xf32, #tpu.memory_space<hbm>> -> memref<10001x128xf32, #tpu.memory_space<hbm>>
      tpu.enqueue_indirect_dma source(%dma_start3A_31 : memref<10001x128xf32, #tpu.memory_space<hbm>>) target(%arg8 : memref<128x128xf32, #tpu.memory_space<vmem>>) offsets(%arg6 : memref<128xi32, #tpu.memory_space<vmem>>) semaphore(%arg10 : memref<!tpu.dma_semaphore, #tpu.memory_space<semaphore_mem>>)
      %dma_wait3A = arith.constant 0 : i32
      %dma_wait3A_32 = arith.constant 0 : i32
      %dma_wait3A_33 = tpu.memref_slice %arg2[%dma_wait3A, %dma_wait3A_32] : memref<10001x128xf32, #tpu.memory_space<hbm>> -> memref<10001x128xf32, #tpu.memory_space<hbm>>
      tpu.wait_indirect_dma semaphore(%arg10 : memref<!tpu.dma_semaphore, #tpu.memory_space<semaphore_mem>>) src(%dma_wait3A_33 : memref<10001x128xf32, #tpu.memory_space<hbm>>) dst(%arg8 : memref<128x128xf32, #tpu.memory_space<vmem>>)
      "tpu.region"() ({
        %run_scoped3A = tpu.sem_alloc : memref<!tpu.dma_semaphore, #tpu.memory_space<semaphore_mem>>
        %dma_start3A_34 = arith.constant 0 : i32
        %dma_start3A_35 = arith.constant 0 : i32
        %dma_start3A_36 = tpu.memref_slice %arg9[%dma_start3A_34, %dma_start3A_35] : memref<10112x128xf32, #tpu.memory_space<vmem_shared>> -> memref<10112x128xf32, #tpu.memory_space<vmem_shared>>
        tpu.enqueue_indirect_dma source(%arg8 : memref<128x128xf32, #tpu.memory_space<vmem>>) target(%dma_start3A_36 : memref<10112x128xf32, #tpu.memory_space<vmem_shared>>) offsets(%arg7 : memref<128xi32, #tpu.memory_space<vmem>>) semaphore(%run_scoped3A : memref<!tpu.dma_semaphore, #tpu.memory_space<semaphore_mem>>) {add = true}
        %dma_wait3A_37 = arith.constant 0 : i32
        %dma_wait3A_38 = arith.constant 0 : i32
        %dma_wait3A_39 = tpu.memref_slice %arg9[%dma_wait3A_37, %dma_wait3A_38] : memref<10112x128xf32, #tpu.memory_space<vmem_shared>> -> memref<10112x128xf32, #tpu.memory_space<vmem_shared>>
        tpu.wait_indirect_dma semaphore(%run_scoped3A : memref<!tpu.dma_semaphore, #tpu.memory_space<semaphore_mem>>) src(%arg8 : memref<128x128xf32, #tpu.memory_space<vmem>>) dst(%dma_wait3A_39 : memref<10112x128xf32, #tpu.memory_space<vmem_shared>>)
        tpu.yield
      }) : () -> ()
    }
    %scan3A_20 = arith.constant 79 : i32
    %barrier3A_21 = arith.constant 0 : index
    tpu.barrier barrier_id(%barrier3A_21)
    "tpu.region"() ({
      %run_scoped3A = tpu.sem_alloc : memref<!tpu.dma_semaphore, #tpu.memory_space<semaphore_mem>>
      %dma_start3A = arith.constant 0 : i32
      %dma_start3A_22 = tpu.memref_slice %arg5[%arg0, %mul3A_2, %dma_start3A] : memref<2x10112x128xf32, #tpu.memory_space<hbm>> -> memref<1x632x128xf32, #tpu.memory_space<hbm>>
      %dma_start3A_23 = tpu.memref_squeeze %dma_start3A_22 : memref<1x632x128xf32, #tpu.memory_space<hbm>> -> memref<632x128xf32, #tpu.memory_space<hbm>>
      %dma_start3A_24 = arith.constant 0 : i32
      %dma_start3A_25 = tpu.memref_slice %arg9[%mul3A_2, %dma_start3A_24] : memref<10112x128xf32, #tpu.memory_space<vmem_shared>> -> memref<632x128xf32, #tpu.memory_space<vmem_shared>>
      tpu.enqueue_dma source(%dma_start3A_25 : memref<632x128xf32, #tpu.memory_space<vmem_shared>>) target(%dma_start3A_23 : memref<632x128xf32, #tpu.memory_space<hbm>>) target_semaphore(%run_scoped3A : memref<!tpu.dma_semaphore, #tpu.memory_space<semaphore_mem>>)
      %dma_wait3A = arith.constant 0 : i32
      %dma_wait3A_26 = tpu.memref_slice %arg5[%arg0, %mul3A_2, %dma_wait3A] : memref<2x10112x128xf32, #tpu.memory_space<hbm>> -> memref<1x632x128xf32, #tpu.memory_space<hbm>>
      %dma_wait3A_27 = tpu.memref_squeeze %dma_wait3A_26 : memref<1x632x128xf32, #tpu.memory_space<hbm>> -> memref<632x128xf32, #tpu.memory_space<hbm>>
      %dma_wait3A_28 = arith.constant 0 : i32
      %dma_wait3A_29 = tpu.memref_slice %arg9[%mul3A_2, %dma_wait3A_28] : memref<10112x128xf32, #tpu.memory_space<vmem_shared>> -> memref<632x128xf32, #tpu.memory_space<vmem_shared>>
      tpu.wait_dma2 semaphore(%run_scoped3A : memref<!tpu.dma_semaphore, #tpu.memory_space<semaphore_mem>>) src(%dma_wait3A_29 : memref<632x128xf32, #tpu.memory_space<vmem_shared>>) dst(%dma_wait3A_27 : memref<632x128xf32, #tpu.memory_space<hbm>>)
      tpu.yield
    }) : () -> ()
    return
  }
}

#map = affine_map<(d0, d1) -> (0)>
#map1 = affine_map<(d0, d1) -> (0, 0, 0)>
module attributes {stable_mosaic.version = 14 : i64} {
  func.func @deg_kernel(%arg0: i32, %arg1: i32, %arg2: memref<323584xi32, #tpu.memory_space<hbm>>, %arg3: memref<2x10112x16xf32, #tpu.memory_space<hbm>>, %arg4: memref<128xi32, #tpu.memory_space<vmem>>, %arg5: memref<128x16xf32, #tpu.memory_space<vmem>>, %arg6: memref<128x16xf32, #tpu.memory_space<vmem>>, %arg7: memref<10112x16xf32, #tpu.memory_space<vmem_shared>>, %arg8: memref<!tpu.dma_semaphore, #tpu.memory_space<semaphore_mem>>) attributes {dimension_semantics = [#tpu.dimension_semantics<core_parallel>, #tpu.dimension_semantics<subcore_parallel>], iteration_bounds = array<i64: 2, 16>, scalar_prefetch = 0 : i64, scratch_operands = 5 : i64, tpu.core_type = #tpu.core_type<sc_vector_subcore>, window_params = [{transform_indices = #map}, {transform_indices = #map1}]} {
    %mul3A = arith.constant 2 : i32
    %mul3A_0 = arith.muli %arg1, %mul3A : i32
    %add3A = arith.addi %mul3A_0, %arg0 : i32
    %mul3A_1 = arith.constant 632 : i32
    %mul3A_2 = arith.muli %arg1, %mul3A_1 : i32
    %scan3A = arith.constant 0 : i32
    %scan3A_3 = arith.constant 128 : i32
    %scan3A_4 = arith.addi %scan3A, %scan3A_3 : i32
    %scan3A_5 = arith.constant 1 : i32
    scf.for %scan3A_22 = %scan3A to %scan3A_4 step %scan3A_5  : i32 {
      %mul3A_23 = arith.constant 1 : i32
      %mul3A_24 = arith.muli %scan3A_22, %mul3A_23 : i32
      %add3A_25 = arith.constant 0 : i32
      %add3A_26 = arith.addi %add3A_25, %mul3A_24 : i32
      %broadcast_in_dim3A = arith.constant 1.000000e+00 : f32
      %broadcast_in_dim3A_27 = vector.broadcast %broadcast_in_dim3A : f32 to vector<16xf32>
      %swap3A = arith.index_cast %add3A_26 : i32 to index
      %swap3A_28 = arith.constant 0 : index
      %swap3A_29 = tpu.vector_load %arg5[%swap3A, %swap3A_28] {strides = array<i32>} : memref<128x16xf32, #tpu.memory_space<vmem>>, vector<1x16xf32>,
      %swap3A_30 = vector.shape_cast %swap3A_29 : vector<1x16xf32> to vector<16xf32>
      %swap3A_31 = vector.shape_cast %broadcast_in_dim3A_27 : vector<16xf32> to vector<1x16xf32>
      tpu.vector_store %arg5[%swap3A, %swap3A_28], %swap3A_31 {strides = array<i32>} : memref<128x16xf32, #tpu.memory_space<vmem>>, vector<1x16xf32>,
      %broadcast_in_dim3A_32 = arith.constant 0.000000e+00 : f32
      %broadcast_in_dim3A_33 = vector.broadcast %broadcast_in_dim3A_32 : f32 to vector<16xf32>
      %swap3A_34 = arith.index_cast %add3A_26 : i32 to index
      %swap3A_35 = arith.constant 0 : index
      %swap3A_36 = tpu.vector_load %arg6[%swap3A_34, %swap3A_35] {strides = array<i32>} : memref<128x16xf32, #tpu.memory_space<vmem>>, vector<1x16xf32>,
      %swap3A_37 = vector.shape_cast %swap3A_36 : vector<1x16xf32> to vector<16xf32>
      %swap3A_38 = vector.shape_cast %broadcast_in_dim3A_33 : vector<16xf32> to vector<1x16xf32>
      tpu.vector_store %arg6[%swap3A_34, %swap3A_35], %swap3A_38 {strides = array<i32>} : memref<128x16xf32, #tpu.memory_space<vmem>>, vector<1x16xf32>,
    }
    %scan3A_6 = arith.constant 128 : i32
    %scan3A_7 = arith.constant 0 : i32
    %scan3A_8 = arith.constant 4 : i32
    %scan3A_9 = arith.addi %scan3A_7, %scan3A_8 : i32
    %scan3A_10 = arith.constant 1 : i32
    scf.for %scan3A_22 = %scan3A_7 to %scan3A_9 step %scan3A_10  : i32 {
      %mul3A_23 = arith.constant 1 : i32
      %mul3A_24 = arith.muli %scan3A_22, %mul3A_23 : i32
      %add3A_25 = arith.constant 0 : i32
      %add3A_26 = arith.addi %add3A_25, %mul3A_24 : i32
      %mul3A_27 = arith.constant 128 : i32
      %mul3A_28 = arith.muli %add3A_26, %mul3A_27 : i32
      %add3A_29 = arith.addi %mul3A_2, %mul3A_28 : i32
      "tpu.region"() ({
        %run_scoped3A = tpu.sem_alloc : memref<!tpu.dma_semaphore, #tpu.memory_space<semaphore_mem>>
        %dma_start3A = arith.constant 0 : i32
        %dma_start3A_30 = tpu.memref_slice %arg7[%add3A_29, %dma_start3A] : memref<10112x16xf32, #tpu.memory_space<vmem_shared>> -> memref<128x16xf32, #tpu.memory_space<vmem_shared>>
        %dma_start3A_31 = arith.constant 0 : i32
        %dma_start3A_32 = tpu.memref_slice %arg7[%add3A_29, %dma_start3A_31] : memref<10112x16xf32, #tpu.memory_space<vmem_shared>> -> memref<128x16xf32, #tpu.memory_space<vmem_shared>>
        tpu.enqueue_dma source(%arg6 : memref<128x16xf32, #tpu.memory_space<vmem>>) target(%dma_start3A_32 : memref<128x16xf32, #tpu.memory_space<vmem_shared>>) target_semaphore(%run_scoped3A : memref<!tpu.dma_semaphore, #tpu.memory_space<semaphore_mem>>)
        %dma_wait3A = arith.constant 0 : i32
        %dma_wait3A_33 = tpu.memref_slice %arg7[%add3A_29, %dma_wait3A] : memref<10112x16xf32, #tpu.memory_space<vmem_shared>> -> memref<128x16xf32, #tpu.memory_space<vmem_shared>>
        %dma_wait3A_34 = arith.constant 0 : i32
        %dma_wait3A_35 = tpu.memref_slice %arg7[%add3A_29, %dma_wait3A_34] : memref<10112x16xf32, #tpu.memory_space<vmem_shared>> -> memref<128x16xf32, #tpu.memory_space<vmem_shared>>
        tpu.wait_dma2 semaphore(%run_scoped3A : memref<!tpu.dma_semaphore, #tpu.memory_space<semaphore_mem>>) src(%arg6 : memref<128x16xf32, #tpu.memory_space<vmem>>) dst(%dma_wait3A_35 : memref<128x16xf32, #tpu.memory_space<vmem_shared>>)
        tpu.yield
      }) : () -> ()
    }
    %scan3A_11 = arith.constant 4 : i32
    %add3A_12 = arith.constant 512 : i32
    %add3A_13 = arith.addi %mul3A_2, %add3A_12 : i32
    "tpu.region"() ({
      %run_scoped3A = tpu.sem_alloc : memref<!tpu.dma_semaphore, #tpu.memory_space<semaphore_mem>>
      %dma_start3A = arith.constant 0 : i32
      %dma_start3A_22 = arith.constant 0 : i32
      %dma_start3A_23 = tpu.memref_slice %arg6[%dma_start3A, %dma_start3A_22] : memref<128x16xf32, #tpu.memory_space<vmem>> -> memref<120x16xf32, #tpu.memory_space<vmem>>
      %dma_start3A_24 = arith.constant 0 : i32
      %dma_start3A_25 = tpu.memref_slice %arg7[%add3A_13, %dma_start3A_24] : memref<10112x16xf32, #tpu.memory_space<vmem_shared>> -> memref<120x16xf32, #tpu.memory_space<vmem_shared>>
      %dma_start3A_26 = arith.constant 0 : i32
      %dma_start3A_27 = tpu.memref_slice %arg7[%add3A_13, %dma_start3A_26] : memref<10112x16xf32, #tpu.memory_space<vmem_shared>> -> memref<120x16xf32, #tpu.memory_space<vmem_shared>>
      %dma_start3A_28 = arith.constant 0 : i32
      %dma_start3A_29 = arith.constant 0 : i32
      %dma_start3A_30 = tpu.memref_slice %arg6[%dma_start3A_28, %dma_start3A_29] : memref<128x16xf32, #tpu.memory_space<vmem>> -> memref<120x16xf32, #tpu.memory_space<vmem>>
      tpu.enqueue_dma source(%dma_start3A_30 : memref<120x16xf32, #tpu.memory_space<vmem>>) target(%dma_start3A_27 : memref<120x16xf32, #tpu.memory_space<vmem_shared>>) target_semaphore(%run_scoped3A : memref<!tpu.dma_semaphore, #tpu.memory_space<semaphore_mem>>)
      %dma_wait3A = arith.constant 0 : i32
      %dma_wait3A_31 = arith.constant 0 : i32
      %dma_wait3A_32 = tpu.memref_slice %arg6[%dma_wait3A, %dma_wait3A_31] : memref<128x16xf32, #tpu.memory_space<vmem>> -> memref<120x16xf32, #tpu.memory_space<vmem>>
      %dma_wait3A_33 = arith.constant 0 : i32
      %dma_wait3A_34 = tpu.memref_slice %arg7[%add3A_13, %dma_wait3A_33] : memref<10112x16xf32, #tpu.memory_space<vmem_shared>> -> memref<120x16xf32, #tpu.memory_space<vmem_shared>>
      %dma_wait3A_35 = arith.constant 0 : i32
      %dma_wait3A_36 = tpu.memref_slice %arg7[%add3A_13, %dma_wait3A_35] : memref<10112x16xf32, #tpu.memory_space<vmem_shared>> -> memref<120x16xf32, #tpu.memory_space<vmem_shared>>
      %dma_wait3A_37 = arith.constant 0 : i32
      %dma_wait3A_38 = arith.constant 0 : i32
      %dma_wait3A_39 = tpu.memref_slice %arg6[%dma_wait3A_37, %dma_wait3A_38] : memref<128x16xf32, #tpu.memory_space<vmem>> -> memref<120x16xf32, #tpu.memory_space<vmem>>
      tpu.wait_dma2 semaphore(%run_scoped3A : memref<!tpu.dma_semaphore, #tpu.memory_space<semaphore_mem>>) src(%dma_wait3A_39 : memref<120x16xf32, #tpu.memory_space<vmem>>) dst(%dma_wait3A_36 : memref<120x16xf32, #tpu.memory_space<vmem_shared>>)
      tpu.yield
    }) : () -> ()
    %barrier3A = arith.constant 0 : index
    tpu.barrier barrier_id(%barrier3A)
    %mul3A_14 = arith.constant 79 : i32
    %mul3A_15 = arith.muli %add3A, %mul3A_14 : i32
    %scan3A_16 = arith.constant 0 : i32
    %scan3A_17 = arith.constant 79 : i32
    %scan3A_18 = arith.addi %scan3A_16, %scan3A_17 : i32
    %scan3A_19 = arith.constant 1 : i32
    scf.for %scan3A_22 = %scan3A_16 to %scan3A_18 step %scan3A_19  : i32 {
      %mul3A_23 = arith.constant 1 : i32
      %mul3A_24 = arith.muli %scan3A_22, %mul3A_23 : i32
      %add3A_25 = arith.constant 0 : i32
      %add3A_26 = arith.addi %add3A_25, %mul3A_24 : i32
      %add3A_27 = arith.addi %mul3A_15, %add3A_26 : i32
      %mul3A_28 = arith.constant 128 : i32
      %mul3A_29 = arith.muli %add3A_27, %mul3A_28 : i32
      "tpu.region"() ({
        %run_scoped3A = tpu.sem_alloc : memref<!tpu.dma_semaphore, #tpu.memory_space<semaphore_mem>>
        %dma_start3A = tpu.memref_slice %arg2[%mul3A_29] : memref<323584xi32, #tpu.memory_space<hbm>> -> memref<128xi32, #tpu.memory_space<hbm>>
        %dma_start3A_30 = tpu.memref_slice %arg2[%mul3A_29] : memref<323584xi32, #tpu.memory_space<hbm>> -> memref<128xi32, #tpu.memory_space<hbm>>
        tpu.enqueue_dma source(%dma_start3A_30 : memref<128xi32, #tpu.memory_space<hbm>>) target(%arg4 : memref<128xi32, #tpu.memory_space<vmem>>) target_semaphore(%run_scoped3A : memref<!tpu.dma_semaphore, #tpu.memory_space<semaphore_mem>>)
        %dma_wait3A = tpu.memref_slice %arg2[%mul3A_29] : memref<323584xi32, #tpu.memory_space<hbm>> -> memref<128xi32, #tpu.memory_space<hbm>>
        %dma_wait3A_31 = tpu.memref_slice %arg2[%mul3A_29] : memref<323584xi32, #tpu.memory_space<hbm>> -> memref<128xi32, #tpu.memory_space<hbm>>
        tpu.wait_dma2 semaphore(%run_scoped3A : memref<!tpu.dma_semaphore, #tpu.memory_space<semaphore_mem>>) src(%dma_wait3A_31 : memref<128xi32, #tpu.memory_space<hbm>>) dst(%arg4 : memref<128xi32, #tpu.memory_space<vmem>>)
        tpu.yield
      }) : () -> ()
      "tpu.region"() ({
        %run_scoped3A = tpu.sem_alloc : memref<!tpu.dma_semaphore, #tpu.memory_space<semaphore_mem>>
        %dma_start3A = arith.constant 0 : i32
        %dma_start3A_30 = arith.constant 0 : i32
        %dma_start3A_31 = tpu.memref_slice %arg7[%dma_start3A, %dma_start3A_30] : memref<10112x16xf32, #tpu.memory_space<vmem_shared>> -> memref<10112x16xf32, #tpu.memory_space<vmem_shared>>
        tpu.enqueue_indirect_dma source(%arg5 : memref<128x16xf32, #tpu.memory_space<vmem>>) target(%dma_start3A_31 : memref<10112x16xf32, #tpu.memory_space<vmem_shared>>) offsets(%arg4 : memref<128xi32, #tpu.memory_space<vmem>>) semaphore(%run_scoped3A : memref<!tpu.dma_semaphore, #tpu.memory_space<semaphore_mem>>) {add = true}
        %dma_wait3A = arith.constant 0 : i32
        %dma_wait3A_32 = arith.constant 0 : i32
        %dma_wait3A_33 = tpu.memref_slice %arg7[%dma_wait3A, %dma_wait3A_32] : memref<10112x16xf32, #tpu.memory_space<vmem_shared>> -> memref<10112x16xf32, #tpu.memory_space<vmem_shared>>
        tpu.wait_indirect_dma semaphore(%run_scoped3A : memref<!tpu.dma_semaphore, #tpu.memory_space<semaphore_mem>>) src(%arg5 : memref<128x16xf32, #tpu.memory_space<vmem>>) dst(%dma_wait3A_33 : memref<10112x16xf32, #tpu.memory_space<vmem_shared>>)
        tpu.yield
      }) : () -> ()
    }
    %scan3A_20 = arith.constant 79 : i32
    %barrier3A_21 = arith.constant 0 : index
    tpu.barrier barrier_id(%barrier3A_21)
    "tpu.region"() ({
      %run_scoped3A = tpu.sem_alloc : memref<!tpu.dma_semaphore, #tpu.memory_space<semaphore_mem>>
      %dma_start3A = arith.constant 0 : i32
      %dma_start3A_22 = tpu.memref_slice %arg3[%arg0, %mul3A_2, %dma_start3A] : memref<2x10112x16xf32, #tpu.memory_space<hbm>> -> memref<1x632x16xf32, #tpu.memory_space<hbm>>
      %dma_start3A_23 = tpu.memref_squeeze %dma_start3A_22 : memref<1x632x16xf32, #tpu.memory_space<hbm>> -> memref<632x16xf32, #tpu.memory_space<hbm>>
      %dma_start3A_24 = arith.constant 0 : i32
      %dma_start3A_25 = tpu.memref_slice %arg7[%mul3A_2, %dma_start3A_24] : memref<10112x16xf32, #tpu.memory_space<vmem_shared>> -> memref<632x16xf32, #tpu.memory_space<vmem_shared>>
      tpu.enqueue_dma source(%dma_start3A_25 : memref<632x16xf32, #tpu.memory_space<vmem_shared>>) target(%dma_start3A_23 : memref<632x16xf32, #tpu.memory_space<hbm>>) target_semaphore(%run_scoped3A : memref<!tpu.dma_semaphore, #tpu.memory_space<semaphore_mem>>)
      %dma_wait3A = arith.constant 0 : i32
      %dma_wait3A_26 = tpu.memref_slice %arg3[%arg0, %mul3A_2, %dma_wait3A] : memref<2x10112x16xf32, #tpu.memory_space<hbm>> -> memref<1x632x16xf32, #tpu.memory_space<hbm>>
      %dma_wait3A_27 = tpu.memref_squeeze %dma_wait3A_26 : memref<1x632x16xf32, #tpu.memory_space<hbm>> -> memref<632x16xf32, #tpu.memory_space<hbm>>
      %dma_wait3A_28 = arith.constant 0 : i32
      %dma_wait3A_29 = tpu.memref_slice %arg7[%mul3A_2, %dma_wait3A_28] : memref<10112x16xf32, #tpu.memory_space<vmem_shared>> -> memref<632x16xf32, #tpu.memory_space<vmem_shared>>
      tpu.wait_dma2 semaphore(%run_scoped3A : memref<!tpu.dma_semaphore, #tpu.memory_space<semaphore_mem>>) src(%dma_wait3A_29 : memref<632x16xf32, #tpu.memory_space<vmem_shared>>) dst(%dma_wait3A_27 : memref<632x16xf32, #tpu.memory_space<hbm>>)
      tpu.yield
    }) : () -> ()
    return
  }
}

#map = affine_map<(d0, d1) -> (0, 0)>
#map1 = affine_map<(d0, d1) -> (0)>
#map2 = affine_map<(d0, d1) -> (0, 0, 0)>
module attributes {stable_mosaic.version = 14 : i64} {
  func.func @conv_kernel(%arg0: i32, %arg1: i32, %arg2: memref<10001x128xf32, #tpu.memory_space<hbm>>, %arg3: memref<323584xi32, #tpu.memory_space<hbm>>, %arg4: memref<323584xi32, #tpu.memory_space<hbm>>, %arg5: memref<2x10112x128xf32, #tpu.memory_space<hbm>>, %arg6: memref<128xi32, #tpu.memory_space<vmem>>, %arg7: memref<128xi32, #tpu.memory_space<vmem>>, %arg8: memref<128x128xf32, #tpu.memory_space<vmem>>, %arg9: memref<10112x128xf32, #tpu.memory_space<vmem_shared>>, %arg10: memref<!tpu.dma_semaphore, #tpu.memory_space<semaphore_mem>>) attributes {dimension_semantics = [#tpu.dimension_semantics<core_parallel>, #tpu.dimension_semantics<subcore_parallel>], iteration_bounds = array<i64: 2, 16>, scalar_prefetch = 0 : i64, scratch_operands = 5 : i64, tpu.core_type = #tpu.core_type<sc_vector_subcore>, window_params = [{transform_indices = #map}, {transform_indices = #map1}, {transform_indices = #map1}, {transform_indices = #map2}]} {
    %mul3A = arith.constant 2 : i32
    %mul3A_0 = arith.muli %arg1, %mul3A : i32
    %add3A = arith.addi %mul3A_0, %arg0 : i32
    %mul3A_1 = arith.constant 632 : i32
    %mul3A_2 = arith.muli %arg1, %mul3A_1 : i32
    %scan3A = arith.constant 0 : i32
    %scan3A_3 = arith.constant 128 : i32
    %scan3A_4 = arith.addi %scan3A, %scan3A_3 : i32
    %scan3A_5 = arith.constant 1 : i32
    scf.for %scan3A_22 = %scan3A to %scan3A_4 step %scan3A_5  : i32 {
      %mul3A_23 = arith.constant 1 : i32
      %mul3A_24 = arith.muli %scan3A_22, %mul3A_23 : i32
      %add3A_25 = arith.constant 0 : i32
      %add3A_26 = arith.addi %add3A_25, %mul3A_24 : i32
      %broadcast_in_dim3A = arith.constant 0.000000e+00 : f32
      %broadcast_in_dim3A_27 = vector.broadcast %broadcast_in_dim3A : f32 to vector<16xf32>
      %swap3A = arith.index_cast %add3A_26 : i32 to index
      %swap3A_28 = arith.constant 0 : index
      %swap3A_29 = tpu.vector_load %arg8[%swap3A, %swap3A_28] {strides = array<i32>} : memref<128x128xf32, #tpu.memory_space<vmem>>, vector<1x16xf32>,
      %swap3A_30 = vector.shape_cast %swap3A_29 : vector<1x16xf32> to vector<16xf32>
      %swap3A_31 = vector.shape_cast %broadcast_in_dim3A_27 : vector<16xf32> to vector<1x16xf32>
      tpu.vector_store %arg8[%swap3A, %swap3A_28], %swap3A_31 {strides = array<i32>} : memref<128x128xf32, #tpu.memory_space<vmem>>, vector<1x16xf32>,
      %broadcast_in_dim3A_32 = arith.constant 0.000000e+00 : f32
      %broadcast_in_dim3A_33 = vector.broadcast %broadcast_in_dim3A_32 : f32 to vector<16xf32>
      %swap3A_34 = arith.index_cast %add3A_26 : i32 to index
      %swap3A_35 = arith.constant 16 : index
      %swap3A_36 = tpu.vector_load %arg8[%swap3A_34, %swap3A_35] {strides = array<i32>} : memref<128x128xf32, #tpu.memory_space<vmem>>, vector<1x16xf32>,
      %swap3A_37 = vector.shape_cast %swap3A_36 : vector<1x16xf32> to vector<16xf32>
      %swap3A_38 = vector.shape_cast %broadcast_in_dim3A_33 : vector<16xf32> to vector<1x16xf32>
      tpu.vector_store %arg8[%swap3A_34, %swap3A_35], %swap3A_38 {strides = array<i32>} : memref<128x128xf32, #tpu.memory_space<vmem>>, vector<1x16xf32>,
      %broadcast_in_dim3A_39 = arith.constant 0.000000e+00 : f32
      %broadcast_in_dim3A_40 = vector.broadcast %broadcast_in_dim3A_39 : f32 to vector<16xf32>
      %swap3A_41 = arith.index_cast %add3A_26 : i32 to index
      %swap3A_42 = arith.constant 32 : index
      %swap3A_43 = tpu.vector_load %arg8[%swap3A_41, %swap3A_42] {strides = array<i32>} : memref<128x128xf32, #tpu.memory_space<vmem>>, vector<1x16xf32>,
      %swap3A_44 = vector.shape_cast %swap3A_43 : vector<1x16xf32> to vector<16xf32>
      %swap3A_45 = vector.shape_cast %broadcast_in_dim3A_40 : vector<16xf32> to vector<1x16xf32>
      tpu.vector_store %arg8[%swap3A_41, %swap3A_42], %swap3A_45 {strides = array<i32>} : memref<128x128xf32, #tpu.memory_space<vmem>>, vector<1x16xf32>,
      %broadcast_in_dim3A_46 = arith.constant 0.000000e+00 : f32
      %broadcast_in_dim3A_47 = vector.broadcast %broadcast_in_dim3A_46 : f32 to vector<16xf32>
      %swap3A_48 = arith.index_cast %add3A_26 : i32 to index
      %swap3A_49 = arith.constant 48 : index
      %swap3A_50 = tpu.vector_load %arg8[%swap3A_48, %swap3A_49] {strides = array<i32>} : memref<128x128xf32, #tpu.memory_space<vmem>>, vector<1x16xf32>,
      %swap3A_51 = vector.shape_cast %swap3A_50 : vector<1x16xf32> to vector<16xf32>
      %swap3A_52 = vector.shape_cast %broadcast_in_dim3A_47 : vector<16xf32> to vector<1x16xf32>
      tpu.vector_store %arg8[%swap3A_48, %swap3A_49], %swap3A_52 {strides = array<i32>} : memref<128x128xf32, #tpu.memory_space<vmem>>, vector<1x16xf32>,
      %broadcast_in_dim3A_53 = arith.constant 0.000000e+00 : f32
      %broadcast_in_dim3A_54 = vector.broadcast %broadcast_in_dim3A_53 : f32 to vector<16xf32>
      %swap3A_55 = arith.index_cast %add3A_26 : i32 to index
      %swap3A_56 = arith.constant 64 : index
      %swap3A_57 = tpu.vector_load %arg8[%swap3A_55, %swap3A_56] {strides = array<i32>} : memref<128x128xf32, #tpu.memory_space<vmem>>, vector<1x16xf32>,
      %swap3A_58 = vector.shape_cast %swap3A_57 : vector<1x16xf32> to vector<16xf32>
      %swap3A_59 = vector.shape_cast %broadcast_in_dim3A_54 : vector<16xf32> to vector<1x16xf32>
      tpu.vector_store %arg8[%swap3A_55, %swap3A_56], %swap3A_59 {strides = array<i32>} : memref<128x128xf32, #tpu.memory_space<vmem>>, vector<1x16xf32>,
      %broadcast_in_dim3A_60 = arith.constant 0.000000e+00 : f32
      %broadcast_in_dim3A_61 = vector.broadcast %broadcast_in_dim3A_60 : f32 to vector<16xf32>
      %swap3A_62 = arith.index_cast %add3A_26 : i32 to index
      %swap3A_63 = arith.constant 80 : index
      %swap3A_64 = tpu.vector_load %arg8[%swap3A_62, %swap3A_63] {strides = array<i32>} : memref<128x128xf32, #tpu.memory_space<vmem>>, vector<1x16xf32>,
      %swap3A_65 = vector.shape_cast %swap3A_64 : vector<1x16xf32> to vector<16xf32>
      %swap3A_66 = vector.shape_cast %broadcast_in_dim3A_61 : vector<16xf32> to vector<1x16xf32>
      tpu.vector_store %arg8[%swap3A_62, %swap3A_63], %swap3A_66 {strides = array<i32>} : memref<128x128xf32, #tpu.memory_space<vmem>>, vector<1x16xf32>,
      %broadcast_in_dim3A_67 = arith.constant 0.000000e+00 : f32
      %broadcast_in_dim3A_68 = vector.broadcast %broadcast_in_dim3A_67 : f32 to vector<16xf32>
      %swap3A_69 = arith.index_cast %add3A_26 : i32 to index
      %swap3A_70 = arith.constant 96 : index
      %swap3A_71 = tpu.vector_load %arg8[%swap3A_69, %swap3A_70] {strides = array<i32>} : memref<128x128xf32, #tpu.memory_space<vmem>>, vector<1x16xf32>,
      %swap3A_72 = vector.shape_cast %swap3A_71 : vector<1x16xf32> to vector<16xf32>
      %swap3A_73 = vector.shape_cast %broadcast_in_dim3A_68 : vector<16xf32> to vector<1x16xf32>
      tpu.vector_store %arg8[%swap3A_69, %swap3A_70], %swap3A_73 {strides = array<i32>} : memref<128x128xf32, #tpu.memory_space<vmem>>, vector<1x16xf32>,
      %broadcast_in_dim3A_74 = arith.constant 0.000000e+00 : f32
      %broadcast_in_dim3A_75 = vector.broadcast %broadcast_in_dim3A_74 : f32 to vector<16xf32>
      %swap3A_76 = arith.index_cast %add3A_26 : i32 to index
      %swap3A_77 = arith.constant 112 : index
      %swap3A_78 = tpu.vector_load %arg8[%swap3A_76, %swap3A_77] {strides = array<i32>} : memref<128x128xf32, #tpu.memory_space<vmem>>, vector<1x16xf32>,
      %swap3A_79 = vector.shape_cast %swap3A_78 : vector<1x16xf32> to vector<16xf32>
      %swap3A_80 = vector.shape_cast %broadcast_in_dim3A_75 : vector<16xf32> to vector<1x16xf32>
      tpu.vector_store %arg8[%swap3A_76, %swap3A_77], %swap3A_80 {strides = array<i32>} : memref<128x128xf32, #tpu.memory_space<vmem>>, vector<1x16xf32>,
    }
    %scan3A_6 = arith.constant 128 : i32
    %scan3A_7 = arith.constant 0 : i32
    %scan3A_8 = arith.constant 4 : i32
    %scan3A_9 = arith.addi %scan3A_7, %scan3A_8 : i32
    %scan3A_10 = arith.constant 1 : i32
    scf.for %scan3A_22 = %scan3A_7 to %scan3A_9 step %scan3A_10  : i32 {
      %mul3A_23 = arith.constant 1 : i32
      %mul3A_24 = arith.muli %scan3A_22, %mul3A_23 : i32
      %add3A_25 = arith.constant 0 : i32
      %add3A_26 = arith.addi %add3A_25, %mul3A_24 : i32
      %mul3A_27 = arith.constant 128 : i32
      %mul3A_28 = arith.muli %add3A_26, %mul3A_27 : i32
      %add3A_29 = arith.addi %mul3A_2, %mul3A_28 : i32
      "tpu.region"() ({
        %run_scoped3A = tpu.sem_alloc : memref<!tpu.dma_semaphore, #tpu.memory_space<semaphore_mem>>
        %dma_start3A = arith.constant 0 : i32
        %dma_start3A_30 = tpu.memref_slice %arg9[%add3A_29, %dma_start3A] : memref<10112x128xf32, #tpu.memory_space<vmem_shared>> -> memref<128x128xf32, #tpu.memory_space<vmem_shared>>
        %dma_start3A_31 = arith.constant 0 : i32
        %dma_start3A_32 = tpu.memref_slice %arg9[%add3A_29, %dma_start3A_31] : memref<10112x128xf32, #tpu.memory_space<vmem_shared>> -> memref<128x128xf32, #tpu.memory_space<vmem_shared>>
        tpu.enqueue_dma source(%arg8 : memref<128x128xf32, #tpu.memory_space<vmem>>) target(%dma_start3A_32 : memref<128x128xf32, #tpu.memory_space<vmem_shared>>) target_semaphore(%run_scoped3A : memref<!tpu.dma_semaphore, #tpu.memory_space<semaphore_mem>>)
        %dma_wait3A = arith.constant 0 : i32
        %dma_wait3A_33 = tpu.memref_slice %arg9[%add3A_29, %dma_wait3A] : memref<10112x128xf32, #tpu.memory_space<vmem_shared>> -> memref<128x128xf32, #tpu.memory_space<vmem_shared>>
        %dma_wait3A_34 = arith.constant 0 : i32
        %dma_wait3A_35 = tpu.memref_slice %arg9[%add3A_29, %dma_wait3A_34] : memref<10112x128xf32, #tpu.memory_space<vmem_shared>> -> memref<128x128xf32, #tpu.memory_space<vmem_shared>>
        tpu.wait_dma2 semaphore(%run_scoped3A : memref<!tpu.dma_semaphore, #tpu.memory_space<semaphore_mem>>) src(%arg8 : memref<128x128xf32, #tpu.memory_space<vmem>>) dst(%dma_wait3A_35 : memref<128x128xf32, #tpu.memory_space<vmem_shared>>)
        tpu.yield
      }) : () -> ()
    }
    %scan3A_11 = arith.constant 4 : i32
    %add3A_12 = arith.constant 512 : i32
    %add3A_13 = arith.addi %mul3A_2, %add3A_12 : i32
    "tpu.region"() ({
      %run_scoped3A = tpu.sem_alloc : memref<!tpu.dma_semaphore, #tpu.memory_space<semaphore_mem>>
      %dma_start3A = arith.constant 0 : i32
      %dma_start3A_22 = arith.constant 0 : i32
      %dma_start3A_23 = tpu.memref_slice %arg8[%dma_start3A, %dma_start3A_22] : memref<128x128xf32, #tpu.memory_space<vmem>> -> memref<120x128xf32, #tpu.memory_space<vmem>>
      %dma_start3A_24 = arith.constant 0 : i32
      %dma_start3A_25 = tpu.memref_slice %arg9[%add3A_13, %dma_start3A_24] : memref<10112x128xf32, #tpu.memory_space<vmem_shared>> -> memref<120x128xf32, #tpu.memory_space<vmem_shared>>
      %dma_start3A_26 = arith.constant 0 : i32
      %dma_start3A_27 = tpu.memref_slice %arg9[%add3A_13, %dma_start3A_26] : memref<10112x128xf32, #tpu.memory_space<vmem_shared>> -> memref<120x128xf32, #tpu.memory_space<vmem_shared>>
      %dma_start3A_28 = arith.constant 0 : i32
      %dma_start3A_29 = arith.constant 0 : i32
      %dma_start3A_30 = tpu.memref_slice %arg8[%dma_start3A_28, %dma_start3A_29] : memref<128x128xf32, #tpu.memory_space<vmem>> -> memref<120x128xf32, #tpu.memory_space<vmem>>
      tpu.enqueue_dma source(%dma_start3A_30 : memref<120x128xf32, #tpu.memory_space<vmem>>) target(%dma_start3A_27 : memref<120x128xf32, #tpu.memory_space<vmem_shared>>) target_semaphore(%run_scoped3A : memref<!tpu.dma_semaphore, #tpu.memory_space<semaphore_mem>>)
      %dma_wait3A = arith.constant 0 : i32
      %dma_wait3A_31 = arith.constant 0 : i32
      %dma_wait3A_32 = tpu.memref_slice %arg8[%dma_wait3A, %dma_wait3A_31] : memref<128x128xf32, #tpu.memory_space<vmem>> -> memref<120x128xf32, #tpu.memory_space<vmem>>
      %dma_wait3A_33 = arith.constant 0 : i32
      %dma_wait3A_34 = tpu.memref_slice %arg9[%add3A_13, %dma_wait3A_33] : memref<10112x128xf32, #tpu.memory_space<vmem_shared>> -> memref<120x128xf32, #tpu.memory_space<vmem_shared>>
      %dma_wait3A_35 = arith.constant 0 : i32
      %dma_wait3A_36 = tpu.memref_slice %arg9[%add3A_13, %dma_wait3A_35] : memref<10112x128xf32, #tpu.memory_space<vmem_shared>> -> memref<120x128xf32, #tpu.memory_space<vmem_shared>>
      %dma_wait3A_37 = arith.constant 0 : i32
      %dma_wait3A_38 = arith.constant 0 : i32
      %dma_wait3A_39 = tpu.memref_slice %arg8[%dma_wait3A_37, %dma_wait3A_38] : memref<128x128xf32, #tpu.memory_space<vmem>> -> memref<120x128xf32, #tpu.memory_space<vmem>>
      tpu.wait_dma2 semaphore(%run_scoped3A : memref<!tpu.dma_semaphore, #tpu.memory_space<semaphore_mem>>) src(%dma_wait3A_39 : memref<120x128xf32, #tpu.memory_space<vmem>>) dst(%dma_wait3A_36 : memref<120x128xf32, #tpu.memory_space<vmem_shared>>)
      tpu.yield
    }) : () -> ()
    %barrier3A = arith.constant 0 : index
    tpu.barrier barrier_id(%barrier3A)
    %mul3A_14 = arith.constant 79 : i32
    %mul3A_15 = arith.muli %add3A, %mul3A_14 : i32
    %scan3A_16 = arith.constant 0 : i32
    %scan3A_17 = arith.constant 79 : i32
    %scan3A_18 = arith.addi %scan3A_16, %scan3A_17 : i32
    %scan3A_19 = arith.constant 1 : i32
    scf.for %scan3A_22 = %scan3A_16 to %scan3A_18 step %scan3A_19  : i32 {
      %mul3A_23 = arith.constant 1 : i32
      %mul3A_24 = arith.muli %scan3A_22, %mul3A_23 : i32
      %add3A_25 = arith.constant 0 : i32
      %add3A_26 = arith.addi %add3A_25, %mul3A_24 : i32
      %add3A_27 = arith.addi %mul3A_15, %add3A_26 : i32
      %mul3A_28 = arith.constant 128 : i32
      %mul3A_29 = arith.muli %add3A_27, %mul3A_28 : i32
      "tpu.region"() ({
        %run_scoped3A = tpu.sem_alloc : memref<!tpu.dma_semaphore, #tpu.memory_space<semaphore_mem>>
        %dma_start3A_34 = tpu.memref_slice %arg3[%mul3A_29] : memref<323584xi32, #tpu.memory_space<hbm>> -> memref<128xi32, #tpu.memory_space<hbm>>
        %dma_start3A_35 = tpu.memref_slice %arg3[%mul3A_29] : memref<323584xi32, #tpu.memory_space<hbm>> -> memref<128xi32, #tpu.memory_space<hbm>>
        tpu.enqueue_dma source(%dma_start3A_35 : memref<128xi32, #tpu.memory_space<hbm>>) target(%arg6 : memref<128xi32, #tpu.memory_space<vmem>>) target_semaphore(%run_scoped3A : memref<!tpu.dma_semaphore, #tpu.memory_space<semaphore_mem>>)
        %dma_wait3A_36 = tpu.memref_slice %arg3[%mul3A_29] : memref<323584xi32, #tpu.memory_space<hbm>> -> memref<128xi32, #tpu.memory_space<hbm>>
        %dma_wait3A_37 = tpu.memref_slice %arg3[%mul3A_29] : memref<323584xi32, #tpu.memory_space<hbm>> -> memref<128xi32, #tpu.memory_space<hbm>>
        tpu.wait_dma2 semaphore(%run_scoped3A : memref<!tpu.dma_semaphore, #tpu.memory_space<semaphore_mem>>) src(%dma_wait3A_37 : memref<128xi32, #tpu.memory_space<hbm>>) dst(%arg6 : memref<128xi32, #tpu.memory_space<vmem>>)
        tpu.yield
      }) : () -> ()
      "tpu.region"() ({
        %run_scoped3A = tpu.sem_alloc : memref<!tpu.dma_semaphore, #tpu.memory_space<semaphore_mem>>
        %dma_start3A_34 = tpu.memref_slice %arg4[%mul3A_29] : memref<323584xi32, #tpu.memory_space<hbm>> -> memref<128xi32, #tpu.memory_space<hbm>>
        %dma_start3A_35 = tpu.memref_slice %arg4[%mul3A_29] : memref<323584xi32, #tpu.memory_space<hbm>> -> memref<128xi32, #tpu.memory_space<hbm>>
        tpu.enqueue_dma source(%dma_start3A_35 : memref<128xi32, #tpu.memory_space<hbm>>) target(%arg7 : memref<128xi32, #tpu.memory_space<vmem>>) target_semaphore(%run_scoped3A : memref<!tpu.dma_semaphore, #tpu.memory_space<semaphore_mem>>)
        %dma_wait3A_36 = tpu.memref_slice %arg4[%mul3A_29] : memref<323584xi32, #tpu.memory_space<hbm>> -> memref<128xi32, #tpu.memory_space<hbm>>
        %dma_wait3A_37 = tpu.memref_slice %arg4[%mul3A_29] : memref<323584xi32, #tpu.memory_space<hbm>> -> memref<128xi32, #tpu.memory_space<hbm>>
        tpu.wait_dma2 semaphore(%run_scoped3A : memref<!tpu.dma_semaphore, #tpu.memory_space<semaphore_mem>>) src(%dma_wait3A_37 : memref<128xi32, #tpu.memory_space<hbm>>) dst(%arg7 : memref<128xi32, #tpu.memory_space<vmem>>)
        tpu.yield
      }) : () -> ()
      %dma_start3A = arith.constant 0 : i32
      %dma_start3A_30 = arith.constant 0 : i32
      %dma_start3A_31 = tpu.memref_slice %arg2[%dma_start3A, %dma_start3A_30] : memref<10001x128xf32, #tpu.memory_space<hbm>> -> memref<10001x128xf32, #tpu.memory_space<hbm>>
      tpu.enqueue_indirect_dma source(%dma_start3A_31 : memref<10001x128xf32, #tpu.memory_space<hbm>>) target(%arg8 : memref<128x128xf32, #tpu.memory_space<vmem>>) offsets(%arg6 : memref<128xi32, #tpu.memory_space<vmem>>) semaphore(%arg10 : memref<!tpu.dma_semaphore, #tpu.memory_space<semaphore_mem>>)
      %dma_wait3A = arith.constant 0 : i32
      %dma_wait3A_32 = arith.constant 0 : i32
      %dma_wait3A_33 = tpu.memref_slice %arg2[%dma_wait3A, %dma_wait3A_32] : memref<10001x128xf32, #tpu.memory_space<hbm>> -> memref<10001x128xf32, #tpu.memory_space<hbm>>
      tpu.wait_indirect_dma semaphore(%arg10 : memref<!tpu.dma_semaphore, #tpu.memory_space<semaphore_mem>>) src(%dma_wait3A_33 : memref<10001x128xf32, #tpu.memory_space<hbm>>) dst(%arg8 : memref<128x128xf32, #tpu.memory_space<vmem>>)
      "tpu.region"() ({
        %run_scoped3A = tpu.sem_alloc : memref<!tpu.dma_semaphore, #tpu.memory_space<semaphore_mem>>
        %dma_start3A_34 = arith.constant 0 : i32
        %dma_start3A_35 = arith.constant 0 : i32
        %dma_start3A_36 = tpu.memref_slice %arg9[%dma_start3A_34, %dma_start3A_35] : memref<10112x128xf32, #tpu.memory_space<vmem_shared>> -> memref<10112x128xf32, #tpu.memory_space<vmem_shared>>
        tpu.enqueue_indirect_dma source(%arg8 : memref<128x128xf32, #tpu.memory_space<vmem>>) target(%dma_start3A_36 : memref<10112x128xf32, #tpu.memory_space<vmem_shared>>) offsets(%arg7 : memref<128xi32, #tpu.memory_space<vmem>>) semaphore(%run_scoped3A : memref<!tpu.dma_semaphore, #tpu.memory_space<semaphore_mem>>) {add = true}
        %dma_wait3A_37 = arith.constant 0 : i32
        %dma_wait3A_38 = arith.constant 0 : i32
        %dma_wait3A_39 = tpu.memref_slice %arg9[%dma_wait3A_37, %dma_wait3A_38] : memref<10112x128xf32, #tpu.memory_space<vmem_shared>> -> memref<10112x128xf32, #tpu.memory_space<vmem_shared>>
        tpu.wait_indirect_dma semaphore(%run_scoped3A : memref<!tpu.dma_semaphore, #tpu.memory_space<semaphore_mem>>) src(%arg8 : memref<128x128xf32, #tpu.memory_space<vmem>>) dst(%dma_wait3A_39 : memref<10112x128xf32, #tpu.memory_space<vmem_shared>>)
        tpu.yield
      }) : () -> ()
    }
    %scan3A_20 = arith.constant 79 : i32
    %barrier3A_21 = arith.constant 0 : index
    tpu.barrier barrier_id(%barrier3A_21)
    "tpu.region"() ({
      %run_scoped3A = tpu.sem_alloc : memref<!tpu.dma_semaphore, #tpu.memory_space<semaphore_mem>>
      %dma_start3A = arith.constant 0 : i32
      %dma_start3A_22 = tpu.memref_slice %arg5[%arg0, %mul3A_2, %dma_start3A] : memref<2x10112x128xf32, #tpu.memory_space<hbm>> -> memref<1x632x128xf32, #tpu.memory_space<hbm>>
      %dma_start3A_23 = tpu.memref_squeeze %dma_start3A_22 : memref<1x632x128xf32, #tpu.memory_space<hbm>> -> memref<632x128xf32, #tpu.memory_space<hbm>>
      %dma_start3A_24 = arith.constant 0 : i32
      %dma_start3A_25 = tpu.memref_slice %arg9[%mul3A_2, %dma_start3A_24] : memref<10112x128xf32, #tpu.memory_space<vmem_shared>> -> memref<632x128xf32, #tpu.memory_space<vmem_shared>>
      tpu.enqueue_dma source(%dma_start3A_25 : memref<632x128xf32, #tpu.memory_space<vmem_shared>>) target(%dma_start3A_23 : memref<632x128xf32, #tpu.memory_space<hbm>>) target_semaphore(%run_scoped3A : memref<!tpu.dma_semaphore, #tpu.memory_space<semaphore_mem>>)
      %dma_wait3A = arith.constant 0 : i32
      %dma_wait3A_26 = tpu.memref_slice %arg5[%arg0, %mul3A_2, %dma_wait3A] : memref<2x10112x128xf32, #tpu.memory_space<hbm>> -> memref<1x632x128xf32, #tpu.memory_space<hbm>>
      %dma_wait3A_27 = tpu.memref_squeeze %dma_wait3A_26 : memref<1x632x128xf32, #tpu.memory_space<hbm>> -> memref<632x128xf32, #tpu.memory_space<hbm>>
      %dma_wait3A_28 = arith.constant 0 : i32
      %dma_wait3A_29 = tpu.memref_slice %arg9[%mul3A_2, %dma_wait3A_28] : memref<10112x128xf32, #tpu.memory_space<vmem_shared>> -> memref<632x128xf32, #tpu.memory_space<vmem_shared>>
      tpu.wait_dma2 semaphore(%run_scoped3A : memref<!tpu.dma_semaphore, #tpu.memory_space<semaphore_mem>>) src(%dma_wait3A_29 : memref<632x128xf32, #tpu.memory_space<vmem_shared>>) dst(%dma_wait3A_27 : memref<632x128xf32, #tpu.memory_space<hbm>>)
      tpu.yield
    }) : () -> ()
    return
  }
}

module attributes {stable_mosaic.version = 14 : i64} {
  func.func @_stage_a_body(%arg0: i32, %arg1: memref<1000x128xf32, #tpu.memory_space<vmem>>, %arg2: memref<128x128xf32, #tpu.memory_space<vmem>>, %arg3: memref<1x128xf32, #tpu.memory_space<vmem>>, %arg4: memref<128x128xf32, #tpu.memory_space<vmem>>, %arg5: memref<1000x16xf32, #tpu.memory_space<vmem>>, %arg6: memref<1000x16xf32, #tpu.memory_space<vmem>>, %arg7: memref<1000x128xf32, #tpu.memory_space<vmem>>) attributes {dimension_semantics = [#tpu.dimension_semantics<arbitrary>], iteration_bounds = array<i64: 10>, scalar_prefetch = 0 : i64, scratch_operands = 0 : i64, tpu.core_type = #tpu.core_type<tc>, window_params = [{transform_indices = @transform_0, window_bounds = array<i64: 1000, 128>}, {pipeline_mode = #tpu.pipeline_mode<synchronous>, transform_indices = @transform_1, window_bounds = array<i64: 128, 128>}, {pipeline_mode = #tpu.pipeline_mode<synchronous>, transform_indices = @transform_2, window_bounds = array<i64: 1, 128>}, {pipeline_mode = #tpu.pipeline_mode<synchronous>, transform_indices = @transform_3, window_bounds = array<i64: 128, 128>}, {transform_indices = @transform_4, window_bounds = array<i64: 1000, 16>}, {transform_indices = @transform_5, window_bounds = array<i64: 1000, 16>}, {transform_indices = @transform_6, window_bounds = array<i64: 1000, 128>}]} {
    %get3A = arith.constant 0 : index
    %get3A_0 = arith.constant 0 : index
    %get3A_1 = vector.load %arg5[%get3A, %get3A_0] : memref<1000x16xf32, #tpu.memory_space<vmem>>, vector<1000x1xf32>
    %get3A_2 = arith.constant 0 : index
    %get3A_3 = arith.constant 0 : index
    %get3A_4 = vector.load %arg6[%get3A_2, %get3A_3] : memref<1000x16xf32, #tpu.memory_space<vmem>>, vector<1000x1xf32>
    %add3A = arith.addf %get3A_1, %get3A_4 : vector<1000x1xf32>
    %add3A_5 = arith.constant 1.000000e+00 : f32
    %add3A_6 = vector.broadcast %add3A_5 : f32 to vector<1000x1xf32>
    %add3A_7 = arith.addf %add3A, %add3A_6 : vector<1000x1xf32>
    %max3A = arith.constant 1.000000e+00 : f32
    %max3A_8 = vector.broadcast %max3A : f32 to vector<1000x1xf32>
    %max3A_9 = arith.maximumf %add3A_7, %max3A_8 : vector<1000x1xf32>
    %rsqrt3A = math.rsqrt %max3A_9 : vector<1000x1xf32>
    %get3A_10 = arith.constant 0 : index
    %get3A_11 = arith.constant 0 : index
    %get3A_12 = vector.load %arg1[%get3A_10, %get3A_11] : memref<1000x128xf32, #tpu.memory_space<vmem>>, vector<1000x128xf32>
    %get3A_13 = arith.constant 0 : index
    %get3A_14 = arith.constant 0 : index
    %get3A_15 = vector.load %arg2[%get3A_13, %get3A_14] : memref<128x128xf32, #tpu.memory_space<vmem>>, vector<128x128xf32>
    %dot_general3A = arith.constant dense<0.000000e+00> : vector<1000x128xf32>
    %dot_general3A_16 = tpu.matmul %get3A_12, %get3A_15, %dot_general3A {dimension_numbers = #tpu.dot_dimension_numbers<[1], [0], [0], [1], [0, 0, 1, 1], [], []>, transpose_lhs_hint = false} : vector<1000x128xf32>, vector<128x128xf32>, vector<1000x128xf32> -> vector<1000x128xf32>
    %get3A_17 = arith.constant 0 : index
    %get3A_18 = arith.constant 0 : index
    %get3A_19 = vector.load %arg3[%get3A_17, %get3A_18] : memref<1x128xf32, #tpu.memory_space<vmem>>, vector<1x128xf32>
    %add3A_20 = vector.broadcast %get3A_19 : vector<1x128xf32> to vector<1000x128xf32>
    %add3A_21 = arith.addf %dot_general3A_16, %add3A_20 : vector<1000x128xf32>
    %get3A_22 = arith.constant 0 : index
    %get3A_23 = arith.constant 0 : index
    %get3A_24 = vector.load %arg4[%get3A_22, %get3A_23] : memref<128x128xf32, #tpu.memory_space<vmem>>, vector<128x128xf32>
    %dot_general3A_25 = arith.constant dense<0.000000e+00> : vector<1000x128xf32>
    %dot_general3A_26 = tpu.matmul %add3A_21, %get3A_24, %dot_general3A_25 {dimension_numbers = #tpu.dot_dimension_numbers<[1], [0], [0], [1], [0, 0, 1, 1], [], []>, transpose_lhs_hint = false} : vector<1000x128xf32>, vector<128x128xf32>, vector<1000x128xf32> -> vector<1000x128xf32>
    %mul3A = vector.broadcast %rsqrt3A : vector<1000x1xf32> to vector<1000x128xf32>
    %mul3A_27 = arith.mulf %dot_general3A_26, %mul3A : vector<1000x128xf32>
    %swap3A = arith.constant 0 : index
    %swap3A_28 = arith.constant 0 : index
    %swap3A_29 = vector.load %arg7[%swap3A, %swap3A_28] : memref<1000x128xf32, #tpu.memory_space<vmem>>, vector<1000x128xf32>
    tpu.vector_store %arg7[%swap3A, %swap3A_28], %mul3A_27 {strides = array<i32>} : memref<1000x128xf32, #tpu.memory_space<vmem>>, vector<1000x128xf32>,
    return
  }
  func.func @transform_0(%arg0: i32) -> (i32, i32) {
    %c0_i32 = arith.constant 0 : i32
    %c0_i32_0 = arith.constant 0 : i32
    return %arg0, %c0_i32 : i32, i32
  }
  func.func @transform_1(%arg0: i32) -> (i32, i32) {
    %c0_i32 = arith.constant 0 : i32
    %c0_i32_0 = arith.constant 0 : i32
    %c0_i32_1 = arith.constant 0 : i32
    return %c0_i32, %c0_i32_0 : i32, i32
  }
  func.func @transform_2(%arg0: i32) -> (i32, i32) {
    %c0_i32 = arith.constant 0 : i32
    %c0_i32_0 = arith.constant 0 : i32
    %c0_i32_1 = arith.constant 0 : i32
    return %c0_i32, %c0_i32_0 : i32, i32
  }
  func.func @transform_3(%arg0: i32) -> (i32, i32) {
    %c0_i32 = arith.constant 0 : i32
    %c0_i32_0 = arith.constant 0 : i32
    %c0_i32_1 = arith.constant 0 : i32
    return %c0_i32, %c0_i32_0 : i32, i32
  }
  func.func @transform_4(%arg0: i32) -> (i32, i32) {
    %c0_i32 = arith.constant 0 : i32
    %c0_i32_0 = arith.constant 0 : i32
    return %arg0, %c0_i32 : i32, i32
  }
  func.func @transform_5(%arg0: i32) -> (i32, i32) {
    %c0_i32 = arith.constant 0 : i32
    %c0_i32_0 = arith.constant 0 : i32
    return %arg0, %c0_i32 : i32, i32
  }
  func.func @transform_6(%arg0: i32) -> (i32, i32) {
    %c0_i32 = arith.constant 0 : i32
    %c0_i32_0 = arith.constant 0 : i32
    return %arg0, %c0_i32 : i32, i32
  }
}

module attributes {stable_mosaic.version = 14 : i64} {
  func.func @_stage_b_body(%arg0: i32, %arg1: memref<1000x128xf32, #tpu.memory_space<vmem>>, %arg2: memref<1000x128xf32, #tpu.memory_space<vmem>>, %arg3: memref<1000x128xf32, #tpu.memory_space<vmem>>, %arg4: memref<1000x16xf32, #tpu.memory_space<vmem>>, %arg5: memref<1000x16xf32, #tpu.memory_space<vmem>>, %arg6: memref<1x128xf32, #tpu.memory_space<vmem>>, %arg7: memref<128x128xf32, #tpu.memory_space<vmem>>, %arg8: memref<1000x128xf32, #tpu.memory_space<vmem>>) attributes {dimension_semantics = [#tpu.dimension_semantics<arbitrary>], iteration_bounds = array<i64: 10>, scalar_prefetch = 0 : i64, scratch_operands = 0 : i64, tpu.core_type = #tpu.core_type<tc>, window_params = [{transform_indices = @transform_0, window_bounds = array<i64: 1000, 128>}, {transform_indices = @transform_1, window_bounds = array<i64: 1000, 128>}, {transform_indices = @transform_2, window_bounds = array<i64: 1000, 128>}, {transform_indices = @transform_3, window_bounds = array<i64: 1000, 16>}, {transform_indices = @transform_4, window_bounds = array<i64: 1000, 16>}, {pipeline_mode = #tpu.pipeline_mode<synchronous>, transform_indices = @transform_5, window_bounds = array<i64: 1, 128>}, {pipeline_mode = #tpu.pipeline_mode<synchronous>, transform_indices = @transform_6, window_bounds = array<i64: 128, 128>}, {transform_indices = @transform_7, window_bounds = array<i64: 1000, 128>}]} {
    %get3A = arith.constant 0 : index
    %get3A_0 = arith.constant 0 : index
    %get3A_1 = vector.load %arg4[%get3A, %get3A_0] : memref<1000x16xf32, #tpu.memory_space<vmem>>, vector<1000x1xf32>
    %get3A_2 = arith.constant 0 : index
    %get3A_3 = arith.constant 0 : index
    %get3A_4 = vector.load %arg5[%get3A_2, %get3A_3] : memref<1000x16xf32, #tpu.memory_space<vmem>>, vector<1000x1xf32>
    %add3A = arith.addf %get3A_1, %get3A_4 : vector<1000x1xf32>
    %add3A_5 = arith.constant 1.000000e+00 : f32
    %add3A_6 = vector.broadcast %add3A_5 : f32 to vector<1000x1xf32>
    %add3A_7 = arith.addf %add3A, %add3A_6 : vector<1000x1xf32>
    %max3A = arith.constant 1.000000e+00 : f32
    %max3A_8 = vector.broadcast %max3A : f32 to vector<1000x1xf32>
    %max3A_9 = arith.maximumf %add3A_7, %max3A_8 : vector<1000x1xf32>
    %rsqrt3A = math.rsqrt %max3A_9 : vector<1000x1xf32>
    %get3A_10 = arith.constant 0 : index
    %get3A_11 = arith.constant 0 : index
    %get3A_12 = vector.load %arg1[%get3A_10, %get3A_11] : memref<1000x128xf32, #tpu.memory_space<vmem>>, vector<1000x128xf32>
    %get3A_13 = arith.constant 0 : index
    %get3A_14 = arith.constant 0 : index
    %get3A_15 = vector.load %arg2[%get3A_13, %get3A_14] : memref<1000x128xf32, #tpu.memory_space<vmem>>, vector<1000x128xf32>
    %add3A_16 = arith.addf %get3A_12, %get3A_15 : vector<1000x128xf32>
    %get3A_17 = arith.constant 0 : index
    %get3A_18 = arith.constant 0 : index
    %get3A_19 = vector.load %arg3[%get3A_17, %get3A_18] : memref<1000x128xf32, #tpu.memory_space<vmem>>, vector<1000x128xf32>
    %add3A_20 = arith.addf %add3A_16, %get3A_19 : vector<1000x128xf32>
    %mul3A = vector.broadcast %rsqrt3A : vector<1000x1xf32> to vector<1000x128xf32>
    %mul3A_21 = arith.mulf %mul3A, %add3A_20 : vector<1000x128xf32>
    %get3A_22 = arith.constant 0 : index
    %get3A_23 = arith.constant 0 : index
    %get3A_24 = vector.load %arg6[%get3A_22, %get3A_23] : memref<1x128xf32, #tpu.memory_space<vmem>>, vector<1x128xf32>
    %add3A_25 = vector.broadcast %get3A_24 : vector<1x128xf32> to vector<1000x128xf32>
    %add3A_26 = arith.addf %mul3A_21, %add3A_25 : vector<1000x128xf32>
    %max3A_27 = arith.constant 0.000000e+00 : f32
    %max3A_28 = vector.broadcast %max3A_27 : f32 to vector<1000x128xf32>
    %max3A_29 = arith.maximumf %add3A_26, %max3A_28 : vector<1000x128xf32>
    %get3A_30 = arith.constant 0 : index
    %get3A_31 = arith.constant 0 : index
    %get3A_32 = vector.load %arg7[%get3A_30, %get3A_31] : memref<128x128xf32, #tpu.memory_space<vmem>>, vector<128x128xf32>
    %dot_general3A = arith.constant dense<0.000000e+00> : vector<1000x128xf32>
    %dot_general3A_33 = tpu.matmul %max3A_29, %get3A_32, %dot_general3A {dimension_numbers = #tpu.dot_dimension_numbers<[1], [0], [0], [1], [0, 0, 1, 1], [], []>, transpose_lhs_hint = false} : vector<1000x128xf32>, vector<128x128xf32>, vector<1000x128xf32> -> vector<1000x128xf32>
    %mul3A_34 = vector.broadcast %rsqrt3A : vector<1000x1xf32> to vector<1000x128xf32>
    %mul3A_35 = arith.mulf %dot_general3A_33, %mul3A_34 : vector<1000x128xf32>
    %swap3A = arith.constant 0 : index
    %swap3A_36 = arith.constant 0 : index
    %swap3A_37 = vector.load %arg8[%swap3A, %swap3A_36] : memref<1000x128xf32, #tpu.memory_space<vmem>>, vector<1000x128xf32>
    tpu.vector_store %arg8[%swap3A, %swap3A_36], %mul3A_35 {strides = array<i32>} : memref<1000x128xf32, #tpu.memory_space<vmem>>, vector<1000x128xf32>,
    return
  }
  func.func @transform_0(%arg0: i32) -> (i32, i32) {
    %c0_i32 = arith.constant 0 : i32
    %c0_i32_0 = arith.constant 0 : i32
    return %arg0, %c0_i32 : i32, i32
  }
  func.func @transform_1(%arg0: i32) -> (i32, i32) {
    %c0_i32 = arith.constant 0 : i32
    %c0_i32_0 = arith.constant 0 : i32
    return %arg0, %c0_i32 : i32, i32
  }
  func.func @transform_2(%arg0: i32) -> (i32, i32) {
    %c0_i32 = arith.constant 0 : i32
    %c0_i32_0 = arith.constant 0 : i32
    return %arg0, %c0_i32 : i32, i32
  }
  func.func @transform_3(%arg0: i32) -> (i32, i32) {
    %c0_i32 = arith.constant 0 : i32
    %c0_i32_0 = arith.constant 0 : i32
    return %arg0, %c0_i32 : i32, i32
  }
  func.func @transform_4(%arg0: i32) -> (i32, i32) {
    %c0_i32 = arith.constant 0 : i32
    %c0_i32_0 = arith.constant 0 : i32
    return %arg0, %c0_i32 : i32, i32
  }
  func.func @transform_5(%arg0: i32) -> (i32, i32) {
    %c0_i32 = arith.constant 0 : i32
    %c0_i32_0 = arith.constant 0 : i32
    %c0_i32_1 = arith.constant 0 : i32
    return %c0_i32, %c0_i32_0 : i32, i32
  }
  func.func @transform_6(%arg0: i32) -> (i32, i32) {
    %c0_i32 = arith.constant 0 : i32
    %c0_i32_0 = arith.constant 0 : i32
    %c0_i32_1 = arith.constant 0 : i32
    return %c0_i32, %c0_i32_0 : i32, i32
  }
  func.func @transform_7(%arg0: i32) -> (i32, i32) {
    %c0_i32 = arith.constant 0 : i32
    %c0_i32_0 = arith.constant 0 : i32
    return %arg0, %c0_i32 : i32, i32
  }
}

module attributes {stable_mosaic.version = 14 : i64} {
  func.func @_stage_c_body(%arg0: i32, %arg1: memref<1000x128xf32, #tpu.memory_space<vmem>>, %arg2: memref<1000x128xf32, #tpu.memory_space<vmem>>, %arg3: memref<1000x128xf32, #tpu.memory_space<vmem>>, %arg4: memref<1000x16xf32, #tpu.memory_space<vmem>>, %arg5: memref<1000x16xf32, #tpu.memory_space<vmem>>, %arg6: memref<1x128xf32, #tpu.memory_space<vmem>>, %arg7: memref<128x40xf32, #tpu.memory_space<vmem>>, %arg8: memref<1x40xf32, #tpu.memory_space<vmem>>, %arg9: memref<1000x40xf32, #tpu.memory_space<vmem>>) attributes {dimension_semantics = [#tpu.dimension_semantics<arbitrary>], iteration_bounds = array<i64: 10>, scalar_prefetch = 0 : i64, scratch_operands = 0 : i64, tpu.core_type = #tpu.core_type<tc>, window_params = [{transform_indices = @transform_0, window_bounds = array<i64: 1000, 128>}, {transform_indices = @transform_1, window_bounds = array<i64: 1000, 128>}, {transform_indices = @transform_2, window_bounds = array<i64: 1000, 128>}, {transform_indices = @transform_3, window_bounds = array<i64: 1000, 16>}, {transform_indices = @transform_4, window_bounds = array<i64: 1000, 16>}, {pipeline_mode = #tpu.pipeline_mode<synchronous>, transform_indices = @transform_5, window_bounds = array<i64: 1, 128>}, {pipeline_mode = #tpu.pipeline_mode<synchronous>, transform_indices = @transform_6, window_bounds = array<i64: 128, 40>}, {pipeline_mode = #tpu.pipeline_mode<synchronous>, transform_indices = @transform_7, window_bounds = array<i64: 1, 40>}, {transform_indices = @transform_8, window_bounds = array<i64: 1000, 40>}]} {
    %get3A = arith.constant 0 : index
    %get3A_0 = arith.constant 0 : index
    %get3A_1 = vector.load %arg4[%get3A, %get3A_0] : memref<1000x16xf32, #tpu.memory_space<vmem>>, vector<1000x1xf32>
    %get3A_2 = arith.constant 0 : index
    %get3A_3 = arith.constant 0 : index
    %get3A_4 = vector.load %arg5[%get3A_2, %get3A_3] : memref<1000x16xf32, #tpu.memory_space<vmem>>, vector<1000x1xf32>
    %add3A = arith.addf %get3A_1, %get3A_4 : vector<1000x1xf32>
    %add3A_5 = arith.constant 1.000000e+00 : f32
    %add3A_6 = vector.broadcast %add3A_5 : f32 to vector<1000x1xf32>
    %add3A_7 = arith.addf %add3A, %add3A_6 : vector<1000x1xf32>
    %max3A = arith.constant 1.000000e+00 : f32
    %max3A_8 = vector.broadcast %max3A : f32 to vector<1000x1xf32>
    %max3A_9 = arith.maximumf %add3A_7, %max3A_8 : vector<1000x1xf32>
    %rsqrt3A = math.rsqrt %max3A_9 : vector<1000x1xf32>
    %get3A_10 = arith.constant 0 : index
    %get3A_11 = arith.constant 0 : index
    %get3A_12 = vector.load %arg1[%get3A_10, %get3A_11] : memref<1000x128xf32, #tpu.memory_space<vmem>>, vector<1000x128xf32>
    %get3A_13 = arith.constant 0 : index
    %get3A_14 = arith.constant 0 : index
    %get3A_15 = vector.load %arg2[%get3A_13, %get3A_14] : memref<1000x128xf32, #tpu.memory_space<vmem>>, vector<1000x128xf32>
    %add3A_16 = arith.addf %get3A_12, %get3A_15 : vector<1000x128xf32>
    %get3A_17 = arith.constant 0 : index
    %get3A_18 = arith.constant 0 : index
    %get3A_19 = vector.load %arg3[%get3A_17, %get3A_18] : memref<1000x128xf32, #tpu.memory_space<vmem>>, vector<1000x128xf32>
    %add3A_20 = arith.addf %add3A_16, %get3A_19 : vector<1000x128xf32>
    %mul3A = vector.broadcast %rsqrt3A : vector<1000x1xf32> to vector<1000x128xf32>
    %mul3A_21 = arith.mulf %mul3A, %add3A_20 : vector<1000x128xf32>
    %get3A_22 = arith.constant 0 : index
    %get3A_23 = arith.constant 0 : index
    %get3A_24 = vector.load %arg6[%get3A_22, %get3A_23] : memref<1x128xf32, #tpu.memory_space<vmem>>, vector<1x128xf32>
    %add3A_25 = vector.broadcast %get3A_24 : vector<1x128xf32> to vector<1000x128xf32>
    %add3A_26 = arith.addf %mul3A_21, %add3A_25 : vector<1000x128xf32>
    %mul3A_27 = arith.mulf %add3A_26, %add3A_26 : vector<1000x128xf32>
    %reduce_sum3A = arith.constant dense<0.000000e+00> : vector<1000xf32>
    %reduce_sum3A_28 = vector.multi_reduction <add>, %mul3A_27, %reduce_sum3A [1] : vector<1000x128xf32> to vector<1000xf32>
    %broadcast_in_dim3A = vector.shape_cast %reduce_sum3A_28 : vector<1000xf32> to vector<1000x1xf32>
    %sqrt3A = math.sqrt %broadcast_in_dim3A : vector<1000x1xf32>
    %max3A_29 = arith.constant 9.99999996E-13 : f32
    %max3A_30 = vector.broadcast %max3A_29 : f32 to vector<1000x1xf32>
    %max3A_31 = arith.maximumf %sqrt3A, %max3A_30 : vector<1000x1xf32>
    %div3A = vector.broadcast %max3A_31 : vector<1000x1xf32> to vector<1000x128xf32>
    %div3A_32 = arith.divf %add3A_26, %div3A : vector<1000x128xf32>
    %get3A_33 = arith.constant 0 : index
    %get3A_34 = arith.constant 0 : index
    %get3A_35 = vector.load %arg7[%get3A_33, %get3A_34] : memref<128x40xf32, #tpu.memory_space<vmem>>, vector<128x40xf32>
    %dot_general3A = arith.constant dense<0.000000e+00> : vector<1000x40xf32>
    %dot_general3A_36 = tpu.matmul %div3A_32, %get3A_35, %dot_general3A {dimension_numbers = #tpu.dot_dimension_numbers<[1], [0], [0], [1], [0, 0, 1, 1], [], []>, transpose_lhs_hint = false} : vector<1000x128xf32>, vector<128x40xf32>, vector<1000x40xf32> -> vector<1000x40xf32>
    %get3A_37 = arith.constant 0 : index
    %get3A_38 = arith.constant 0 : index
    %get3A_39 = vector.load %arg8[%get3A_37, %get3A_38] : memref<1x40xf32, #tpu.memory_space<vmem>>, vector<1x40xf32>
    %add3A_40 = vector.broadcast %get3A_39 : vector<1x40xf32> to vector<1000x40xf32>
    %add3A_41 = arith.addf %dot_general3A_36, %add3A_40 : vector<1000x40xf32>
    %reduce_max3A = arith.constant dense<0xFF800000> : vector<1000xf32>
    %reduce_max3A_42 = vector.multi_reduction <maximumf>, %add3A_41, %reduce_max3A [1] : vector<1000x40xf32> to vector<1000xf32>
    %broadcast_in_dim3A_43 = vector.shape_cast %reduce_max3A_42 : vector<1000xf32> to vector<1000x1xf32>
    %sub3A = vector.broadcast %broadcast_in_dim3A_43 : vector<1000x1xf32> to vector<1000x40xf32>
    %sub3A_44 = arith.subf %add3A_41, %sub3A : vector<1000x40xf32>
    %exp3A = math.exp %sub3A_44 : vector<1000x40xf32>
    %reduce_sum3A_45 = arith.constant dense<0.000000e+00> : vector<1000xf32>
    %reduce_sum3A_46 = vector.multi_reduction <add>, %exp3A, %reduce_sum3A_45 [1] : vector<1000x40xf32> to vector<1000xf32>
    %broadcast_in_dim3A_47 = vector.shape_cast %reduce_sum3A_46 : vector<1000xf32> to vector<1000x1xf32>
    %log3A = math.log %broadcast_in_dim3A_47 : vector<1000x1xf32>
    %add3A_48 = arith.addf %broadcast_in_dim3A_43, %log3A : vector<1000x1xf32>
    %sub3A_49 = vector.broadcast %add3A_48 : vector<1000x1xf32> to vector<1000x40xf32>
    %sub3A_50 = arith.subf %add3A_41, %sub3A_49 : vector<1000x40xf32>
    %swap3A = arith.constant 0 : index
    %swap3A_51 = arith.constant 0 : index
    %swap3A_52 = vector.load %arg9[%swap3A, %swap3A_51] : memref<1000x40xf32, #tpu.memory_space<vmem>>, vector<1000x40xf32>
    tpu.vector_store %arg9[%swap3A, %swap3A_51], %sub3A_50 {strides = array<i32>} : memref<1000x40xf32, #tpu.memory_space<vmem>>, vector<1000x40xf32>,
    return
  }
  func.func @transform_0(%arg0: i32) -> (i32, i32) {
    %c0_i32 = arith.constant 0 : i32
    %c0_i32_0 = arith.constant 0 : i32
    return %arg0, %c0_i32 : i32, i32
  }
  func.func @transform_1(%arg0: i32) -> (i32, i32) {
    %c0_i32 = arith.constant 0 : i32
    %c0_i32_0 = arith.constant 0 : i32
    return %arg0, %c0_i32 : i32, i32
  }
  func.func @transform_2(%arg0: i32) -> (i32, i32) {
    %c0_i32 = arith.constant 0 : i32
    %c0_i32_0 = arith.constant 0 : i32
    return %arg0, %c0_i32 : i32, i32
  }
  func.func @transform_3(%arg0: i32) -> (i32, i32) {
    %c0_i32 = arith.constant 0 : i32
    %c0_i32_0 = arith.constant 0 : i32
    return %arg0, %c0_i32 : i32, i32
  }
  func.func @transform_4(%arg0: i32) -> (i32, i32) {
    %c0_i32 = arith.constant 0 : i32
    %c0_i32_0 = arith.constant 0 : i32
    return %arg0, %c0_i32 : i32, i32
  }
  func.func @transform_5(%arg0: i32) -> (i32, i32) {
    %c0_i32 = arith.constant 0 : i32
    %c0_i32_0 = arith.constant 0 : i32
    %c0_i32_1 = arith.constant 0 : i32
    return %c0_i32, %c0_i32_0 : i32, i32
  }
  func.func @transform_6(%arg0: i32) -> (i32, i32) {
    %c0_i32 = arith.constant 0 : i32
    %c0_i32_0 = arith.constant 0 : i32
    %c0_i32_1 = arith.constant 0 : i32
    return %c0_i32, %c0_i32_0 : i32, i32
  }
  func.func @transform_7(%arg0: i32) -> (i32, i32) {
    %c0_i32 = arith.constant 0 : i32
    %c0_i32_0 = arith.constant 0 : i32
    %c0_i32_1 = arith.constant 0 : i32
    return %c0_i32, %c0_i32_0 : i32, i32
  }
  func.func @transform_8(%arg0: i32) -> (i32, i32) {
    %c0_i32 = arith.constant 0 : i32
    %c0_i32_0 = arith.constant 0 : i32
    return %arg0, %c0_i32 : i32, i32
  }
}

</mosaic_0001>

<sc_bundles>
// kernel: kernel.11.cloned.1.call-start
scs
__scs_entry_jumppad:
0x0: {  	(pc) =	sbr.rel $0x88, $3  }
0x1: {  	(tag) =	ssettag $0x0;
	lr =	simm.s32 $0x1  }
0x2: {  	[smem:$0x3F97] =	sst lr;
	_ =	strace $0xD0000000  }
0x3: {  	_ = 	snop  }
0x4: {  	_ = 	snop  }
0x5: {  	_ = 	snop  }
0x6: {  	_ = 	snop  }
0x7: {  	_ = 	snop  }
__scs_overlays_trampoline_lowered:
0x8: {  	[smem:$0x3FA6] =	sst s0  }
0x9: {  	[smem:$0x3FA7] =	sst s1  }
0xa: {  	[smem:$0x3FA8] =	sst s2  }
0xb: {  	[smem:$0x3FA9] =	sst s3  }
0xc: {  	[smem:$0x3FAA] =	sst s4  }
0xd: {  	[smem:$0x3FAB] =	sst s5  }
0xe: {  	[smem:$0x3FAC] =	sst s6  }
0xf: {  	[smem:$0x3FAD] =	sst s7  }
0x10: {  	[smem:$0x3FAE] =	sst s8  }
0x11: {  	[smem:$0x3FAF] =	sst s9;
	s0 =	simm.s32 @!p0 $0x0  }
0x12: {  	s1 =	sld [smem:$0x3F95];
	s0 =	simm.s32 @p0 $0x1  }
0x13: {  	[smem:$0x3FB0] =	sst s0;
	s0 =	simm.s32 @!p1 $0x0  }
0x14: {  	s2 =	sld [smem:$0x3F94];
	s0 =	simm.s32 @p1 $0x1  }
0x15: {  	[smem:$0x3FB1] =	sst s0;
	s0 =	simm.s32 @!p2 $0x0  }
0x16: {  	s3 =	sld [smem:$0x3FDB];
	s0 =	simm.s32 @p2 $0x1  }
0x17: {  	s4 =	simm.s32 $0x1BF5;
	[smem:$0x3FB3] =	sst s0  }
0x18: {  	s0 =	sld [smem:$0x3F96];
	_ =	swait.ge [sflag:s4], $0x0  }
0x19: {  	s7 =	sld [smem:$0x3F97]  }
0x1a: {  	s8 =	sadd.s32 $0xFFFFE003, lr  }
0x1b: {  	s9 =	sadd.s32 $0xFFFFFEF7, lr;
	s5 =	simm.s32 $0xFFFFFFFF;
	p2 =	slt.u32 s8, $0xFFFFF086  }
0x1c: {  	p1 =	slt.u32 s9, $0xF7A;
	s5 =	simm.s32 @!p2 $0x0  }
0x1d: {  	s5 =	simm.s32 @p1 $0x1;
	p0 =	seq.s32 s7, s2  }
0x1e: {  	s7 =	smul.u32 @!p0 $0xF7A, s2;
	p2 =	seq.s32 @!p0 s5, $0x0  }
0x1f: {  	s9 =	smul.u32 $0xF7A, s1;
	s8 =	simm.s32 @!p0 $0x1BF5;
	p2 =	por !p2, p0  }
0x20: {  	[sflag:s8] =	ssyncset.s32 @!p0 $0xFFFFF086;
	s6 =	sadd.s32 @!p0 s3, s7;
	s7 =	simm.s32 @!p0 $0x108  }
0x21: {  	s3 =	sadd.s32 s3, s9;
	s6 =	sadd.s32 @!p0 $0x88, s6;
	s7 =	simm.s32 @p2 $0x1082  }
0x22: {  	[simem:s7], [sflag:s8] =	dma.local @!p0 [hbm:s6], $0xF7A  }
0x23: {  	s9 =	sor.u32 $0xD0000000, s2;
	s6 =	simm.s32 $0x108;
	_ =	swait.ge @!p0 [sflag:s8], $0x0  }
0x24: {  	s3 =	sadd.s32 $0x88, s3;
	s6 =	simm.s32 @!p1 $0x1082;
	[sflag:s4] =	ssyncset.s32 $0xFFFFF086  }
0x25: {  	[simem:s6], [sflag:s4] =	dma.local [hbm:s3], $0xF7A  }
0x26: {  	[smem:$0x3F97] =	sst s1;
	(tag) =	ssettag s2;
	_ =	strace s9  }
0x27: {  	s1 =	sld [smem:$0x3FA7]  }
0x28: {  	s2 =	sld [smem:$0x3FA8]  }
0x29: {  	s4 =	sld [smem:$0x3FAA]  }
0x2a: {  	p0 =	seq.s32 s5, $0x0;
	s5 =	sld [smem:$0x3FAB]  }
0x2b: {  	s6 =	sld [smem:$0x3FAC]  }
0x2c: {  	s7 =	sld [smem:$0x3FAD]  }
0x2d: {  	s3 =	simm.s32 $0x108;
	s8 =	sld [smem:$0x3FAE]  }
0x2e: {  	s3 =	simm.s32 @!p0 $0x1082;
	s9 =	sld [smem:$0x3FAF]  }
0x2f: {  	lr =	sadd.s32 s0, s3;
	s0 =	sld [smem:$0x3FA6]  }
0x30: {  	s3 =	sld [smem:$0x3FA9]  }
0x31: {  	[smem:$0x3FB2] =	sst s10  }
0x32: {  	s10 =	sld [smem:$0x3FB0];
	_ =	sdelay $0x3  }
0x33: {  	p0 =	seq.s32 s10, $0x1;
	s10 =	sld [smem:$0x3FB2];
	_ =	sdelay $0x3  }
0x34: {  	[smem:$0x3FB2] =	sst s10  }
0x35: {  	s10 =	sld [smem:$0x3FB1];
	_ =	sdelay $0x3  }
0x36: {  	p1 =	seq.s32 s10, $0x1;
	s10 =	sld [smem:$0x3FB2];
	_ =	sdelay $0x3  }
0x37: {  	[smem:$0x3FB2] =	sst s10  }
0x38: {  	s10 =	sld [smem:$0x3FB3]  }
0x39: {  	_ = 	snop;
	(pc) =	sbr.ind lr, $3  }
0x3a: {  	_ = 	snop  }
0x3b: {  	_ = 	snop  }
0x3c: {  	p2 =	seq.s32 s10, $0x1;
	s10 =	sld [smem:$0x3FB2]  }
0x3d: {  	_ =	shalt  }
0x3e: {  	_ =	shalt  }
0x3f: {  	_ =	shalt  }
0x40: {  	_ =	shalt  }
0x41: {  	_ =	shalt  }
0x42: {  	_ =	shalt  }
0x43: {  	_ =	shalt  }
0x44: {  	_ =	shalt  }
0x45: {  	_ =	shalt  }
0x46: {  	_ =	shalt  }
0x47: {  	_ =	shalt  }
0x48: {  	_ =	shalt  }
0x49: {  	_ =	shalt  }
0x4a: {  	_ =	shalt  }
0x4b: {  	_ =	shalt  }
0x4c: {  	_ =	shalt  }
0x4d: {  	_ =	shalt  }
0x4e: {  	_ =	shalt  }
0x4f: {  	_ =	shalt  }
0x50: {  	_ =	shalt  }
0x51: {  	_ =	shalt  }
0x52: {  	_ =	shalt  }
0x53: {  	_ =	shalt  }
0x54: {  	_ =	shalt  }
0x55: {  	_ =	shalt  }
0x56: {  	_ =	shalt  }
0x57: {  	_ =	shalt  }
0x58: {  	_ =	shalt  }
0x59: {  	_ =	shalt  }
0x5a: {  	_ =	shalt  }
0x5b: {  	_ =	shalt  }
0x5c: {  	_ =	shalt  }
0x5d: {  	_ =	shalt  }
0x5e: {  	_ =	shalt  }
0x5f: {  	_ =	shalt  }
0x60: {  	_ =	shalt  }
0x61: {  	_ =	shalt  }
0x62: {  	_ =	shalt  }
0x63: {  	_ =	shalt  }
0x64: {  	_ =	shalt  }
0x65: {  	_ =	shalt  }
0x66: {  	_ =	shalt  }
0x67: {  	_ =	shalt  }
0x68: {  	_ =	shalt  }
0x69: {  	_ =	shalt  }
0x6a: {  	_ =	shalt  }
0x6b: {  	_ =	shalt  }
0x6c: {  	_ =	shalt  }
0x6d: {  	_ =	shalt  }
0x6e: {  	_ =	shalt  }
0x6f: {  	_ =	shalt  }
0x70: {  	_ =	shalt  }
0x71: {  	_ =	shalt  }
0x72: {  	_ =	shalt  }
0x73: {  	_ =	shalt  }
0x74: {  	_ =	shalt  }
0x75: {  	_ =	shalt  }
0x76: {  	_ =	shalt  }
0x77: {  	_ =	shalt  }
0x78: {  	_ =	shalt  }
0x79: {  	_ =	shalt  }
0x7a: {  	_ =	shalt  }
0x7b: {  	_ =	shalt  }
0x7c: {  	_ =	shalt  }
0x7d: {  	_ =	shalt  }
0x7e: {  	_ =	shalt  }
0x7f: {  	_ =	shalt  }
0x80: {  	_ =	shalt  }
0x81: {  	_ =	shalt  }
0x82: {  	_ =	shalt  }
0x83: {  	_ =	shalt  }
0x84: {  	_ =	shalt  }
0x85: {  	_ =	shalt  }
0x86: {  	_ =	shalt  }
0x87: {  	_ =	shalt  }
.Lfunc_end0:
.L_simem_size_0:
called_computation.1_lowered:
.L_overlay_start_0:
0x88: {  	s2 =	sld [smem:$0x3FD9]  }
0x89: {  	s3 =	sld [smem:$0x3FFE];
	_ =	sdelay $0x1  }
0x8a: {  	s1 =	srdreg.scid  }
0x8b: {  	s0 =	sand.u32 $0x1, s1  }
0x8c: {  	s17 =	sshll.u32 s0, $0xA;
	s2 =	sadd.s32 s3, s2  }
0x8d: {  	s2 =	sadd.s32 s2, s17  }
0x8e: {  	[smem:$0x3FBE] =	sst s2  }
0x8f: {  	_ = 	snop  }
0x90: {  	s2 =	sld [smem:$0x3FD0];
	(tm) =	ssettm $0x1  }
0x91: {  	s18 =	sld [smem:$0x3FFB];
	_ =	sdelay $0x3  }
0x92: {  	_ =	strace s18  }
0x93: {  	s3 =	sld [smem:$0x3FFC];
	_ =	sdelay $0x3  }
0x94: {  	_ =	strace s3  }
0x95: {  	s3 =	sld [smem:$0x3FFD];
	_ =	sdelay $0x3  }
0x96: {  	_ =	strace s3  }
0x97: {  	_ =	strace $0x8FFFFFFF  }
0x98: {  	s19 =	sld [smem:$0x3FDB];
	_ =	sdelay $0x1  }
0x99: {  	s4 =	simm.s32 $_scs_section_size  }
0x9a: {  	s5 =	simm.s32 $_size__tile_overlayer_lowered;
	s6 =	simm.s32 $_tile_overlayer_lowered  }
0x9b: {  	s22 =	simm.s32 $0x1BFF;
	s21 =	sshll.u32 s6, $0x1;
	s3 =	sadd.s32 s4, s19  }
0x9c: {  	s7 =	simm.s32 $0x0;
	s20 =	sshll.u32 s5, $0x1;
	s5 =	sadd.s32 s21, s3  }
0x9d: {  	[timem:s7], [sflag:s22] =	dma.local [hbm:s5], s20  }
0x9e: {  	_ =	swait.ge [sflag:s22], s20  }
0x9f: {  	s4 =	ssub.s32 $0x0, s20;
	[sflag:s22] =	ssyncset.done $0x0  }
0xa0: {  	[sflag:s22] =	ssyncadd.s32 s4;
	_ =	sdelay $0x1  }
0xa1: {  	s23 =	simm.s32 $0x1B8B  }
0xa2: {  	_ =	swait.ge [sflag:s23], $0x1  }
0xa3: {  	[sflag:s23] =	ssyncset.done $0x0  }
0xa4: {  	s25 =	simm.s32 $0x1B8E;
	s24 =	sld [smem:$0x3FFE];
	[sflag:s23] =	ssyncadd.s32 $0xFFFFFFFF  }
0xa5: {  	s26 =	simm.s32 $execute0_lowered;
	[smem:$0x3FD2] =	sst s25  }
0xa6: {  	s5 =	sshll.u32 s26, $0x1;
	_ =	strace $0x80000049;
	[dreg:$0x1] =	wrdreg $0xFFFFFFFF  }
0xa7: {  	s28 =	simm.s32 $_size_execute0_lowered;
	s3 =	sadd.s32 s3, s5;
	[dreg:$0x0] =	wrdreg $0x0  }
0xa8: {  	s5 =	sshll.u32 s28, $0x1;
	[dreg:$0x2] =	wrdreg s3  }
0xa9: {  	[dreg:$0x3] =	wrdreg s5  }
0xaa: {  	[dreg:$0x4] =	wrdreg $0xC0  }
0xab: {  	_ =	task [dreg:s7], $0x5FFFF  }
0xac: {  	[dreg:$0x1] =	wrdreg $0xFFFFFFFF  }
0xad: {  	[dreg:$0x0] =	wrdreg $0x60  }
0xae: {  	[dreg:$0x2] =	wrdreg s24  }
0xaf: {  	[dreg:$0x3] =	wrdreg s2  }
0xb0: {  	[dreg:$0x4] =	wrdreg $0x41000  }
0xb1: {  	[dreg:$0x5] =	wrdreg $0x9  }
0xb2: {  	_ =	task.clear_ibuf [dreg:s7], $0x6FFFF;
	_ =	strace $0x90000049  }
0xb3: {  	s29 =	simm.s32 $0x9;
	_ =	strace $0x8000004B  }
0xb4: {  	_ =	swait.ge [sflag:s29], $0x1  }
0xb5: {  	[sflag:s29] =	ssyncadd.s32 $0xFFFFFFFF  }
0xb6: {  	_ =	strace $0x9000004B  }
0xb7: {  	_ =	sfence  }
0xb8: {  	s30 =	sld [smem:$0x0];
	_ =	sdelay $0x2  }
0xb9: {  	s31 =	sshll.u32 s1, $0xD;
	s1 =	sshrl.u32 s1, $0x2  }
0xba: {  	s3 =	sand.u32 $0x4000, s31;
	s1 =	sadd.s32 s1, s30  }
0xbb: {  	s0 =	sor.u32 s3, s0;
	s1 =	sshll.u32 s1, $0x11  }
0xbc: {  	s0 =	sor.u32 s1, s0  }
0xbd: {  	s0 =	sadd.s32 $0x8F2B, s0  }
0xbe: {  	[sflag:s0] =	ssyncadd.remote.s32 $0x1  }
0xbf: {  	_ =	sfence.sel $0xFFFF  }
0xc0: {  	[dreg:$0x0] =	wrdreg $0xFFFFFFFF;
	(pc) =	sbr.abs _section_cstart, $3  }
0xc1: {  	[dreg:$0x1] =	wrdreg $0xFFFFFFFF  }
0xc2: {  	_ =	task.clear_ibuf [dreg:s7], $0x2FFFF;
	_ =	strace $0x9FFFFFFF  }
0xc3: {  	(tm) =	ssettm $0x7FFFFFFF  }
tec
execute0_lowered:
.L_overlay_start_1:
0x0: {  	(tag) =	ssettag $0x1  }
0x1: {  	s6 =	rddreg [dreg:$0x0];
	s0 =	stileid.u32  }
0x2: {  	s1 =	srdreg.scid;
	s11 =	rddreg [dreg:$0x1]  }
0x3: {  	s2 =	rddreg [dreg:$0x2];
	s3 =	simm.s32 $0x0;
	s15 =	simm.s32 $0x2  }
0x4: {  	s16 =	simm.s32 $0x80;
	s17 =	simm.s32 $0x1;
	s12 =	smul.u32 $0x9E0, s0  }
0x5: {  	s9 =	sand.u32 $0x1, s1;
	s1 =	rddreg [dreg:$0x3];
	s7 =	smul.u32 $0x13C00, s0  }
0x6: {  	s20 =	simm.s32 $0x0;
	[smem:$0x7FF] =	sst s3;
	s8 =	smul.u32 $0x4F000, s0  }
0x7: {  	s4 =	sadd.s32 $0x5B400, s6;
	s18 =	sshll.u32 s0, $0x6;
	s5 =	smul.u32 $0x13C000, s9  }
0x8: {  	_ =	strace $0x8000004A;
	s28 =	ssub.s32 $0x2, s9;
	s31 =	smul.u32 $0x4F0, s9  }
0x9: {  	s18 =	sor.u32 $0x1C02, s18;
	s13 =	sadd.s32 s12, s6;
	s8 =	sshrl.u32 s8, $0x2  }
0xa: {  	s14 =	sshrl.u32 s28, $0x1;
	s12 =	sadd.s32 s12, s11;
	s5 =	sadd.s32 s7, s5  }
0xb: {  	s30 =	ssub.s32 s28, s14;
	s12 =	sadd.s32 s31, s12;
	s13 =	sadd.s32 s31, s13  }
0xc: {  	s14 =	simm.s32 $0x100;
	s10 =	sshrl.u32 s5, $0x3;
	s5 =	sadd.s32 s8, s2  }
0xd: {  	s8 =	smax.u32 s30, $0x1;
	s13 =	sadd.s32 $0x51600, s13;
	s29 =	sadd.s32 s10, s6  }
0xe: {  	s6 =	sadd.s32 $0x10000, s5;
	s9 =	sadd.s32 $0x4000, s5;
	s10 =	sadd.s32 $0x8000, s5  }
0xf: {  	v0 =	vimm.f32 $0.0e+00;
	s11 =	sadd.s32 $0xC000, s5;
	s19 =	sshrl.u32 s5, $0x3;
	s7 =	sadd.s32 $0x82600, s29  }
.LBB2_1:
0x10: {  	s21 =	simm.s32 $0x0;
	s22 =	simm.s32 $0x200  }
.LBB2_2:
0x11: {  	p0 =	sne.s32 s22, $0xFE00;
	[tilespmem:s21+$0x170] =	vst v0  }
0x12: {  	[tilespmem:s21+$0x100] =	vst v0  }
0x13: {  	[tilespmem:s21+$0x110] =	vst v0  }
.Ltmp0:
0x14: {  	[tilespmem:s21+$0x120] =	vst v0;
	(pc) =	sbr.rel @p0 .LBB2_2-.Ltmp0, $4  }
0x15: {  	[tilespmem:s21+$0x130] =	vst v0  }
0x16: {  	[tilespmem:s21+$0x140] =	vst v0  }
0x17: {  	[tilespmem:s21+$0x150] =	vst v0  }
0x18: {  	[tilespmem:s21+$0x160] =	vst v0;
	s21 =	sshra.s32 s22, $0x2;
	s22 =	sadd.s32 $0x200, s22  }
0x19: {  	[tilespmem:s21+$0x170] =	vst v0  }
0x1a: {  	[tilespmem:s21+$0x100] =	vst v0  }
0x1b: {  	[tilespmem:s21+$0x110] =	vst v0  }
0x1c: {  	[tilespmem:s21+$0x120] =	vst v0  }
0x1d: {  	[tilespmem:s21+$0x130] =	vst v0  }
0x1e: {  	[tilespmem:s21+$0x140] =	vst v0  }
0x1f: {  	[tilespmem:s21+$0x150] =	vst v0  }
0x20: {  	[tilespmem:s21+$0x160] =	vst v0  }
0x21: {  	[spmem:s5] =	stream.linear.scatter [tilespmem:s14], [sflag:$0x2], $0x4000, $0x38;
	[tilespmem:$0x17D00] =	vst v63  }
0x22: {  	_ =	swait.ge [sflag:s15], $0x4000  }
0x23: {  	[sflag:s15] =	ssyncset.done $0x0  }
0x24: {  	[sflag:s15] =	ssyncadd.s32 $0xFFFFC000  }
0x25: {  	[spmem:s9] =	stream.linear.scatter [tilespmem:s14], [sflag:$0x2], $0x4000, $0x38;
	[tilespmem:$0x17D00] =	vst v63  }
0x26: {  	_ =	swait.ge [sflag:s15], $0x4000  }
0x27: {  	[sflag:s15] =	ssyncset.done $0x0  }
0x28: {  	[sflag:s15] =	ssyncadd.s32 $0xFFFFC000  }
0x29: {  	[spmem:s10] =	stream.linear.scatter [tilespmem:s14], [sflag:$0x2], $0x4000, $0x38;
	[tilespmem:$0x17D00] =	vst v63  }
0x2a: {  	_ =	swait.ge [sflag:s15], $0x4000  }
0x2b: {  	[sflag:s15] =	ssyncset.done $0x0  }
0x2c: {  	[sflag:s15] =	ssyncadd.s32 $0xFFFFC000  }
0x2d: {  	[spmem:s11] =	stream.linear.scatter [tilespmem:s14], [sflag:$0x2], $0x4000, $0x38;
	[tilespmem:$0x17D00] =	vst v63  }
0x2e: {  	_ =	swait.ge [sflag:s15], $0x4000  }
0x2f: {  	[sflag:s15] =	ssyncset.done $0x0  }
0x30: {  	[sflag:s15] =	ssyncadd.s32 $0xFFFFC000  }
0x31: {  	[spmem:s6] =	stream.linear.scatter [tilespmem:s14], [sflag:$0x2], $0x3C00, $0x38;
	[tilespmem:$0x17D00] =	vst v63  }
0x32: {  	_ =	swait.ge [sflag:s15], $0x3C00  }
0x33: {  	[sflag:s15] =	ssyncset.done $0x0  }
0x34: {  	[sflag:s15] =	ssyncadd.s32 $0xFFFFC400  }
0x35: {  	s30 =	sadd.s32 $0x0, s13;
	[bflag:$0x0] =	sbarrier.arrive $0xFFFF  }
0x36: {  	[tilespmem:s3], [sflag:$0x2] =	stream.linear.gather [hbm4b:s30+s3], $0x80, $0x38;
	[tilespmem:$0x17D00] =	vst v63  }
0x37: {  	_ =	swait.ge [sflag:s15], $0x80  }
0x38: {  	[sflag:s15] =	ssyncset.done $0x0  }
0x39: {  	s31 =	sadd.s32 $0x0, s12;
	[sflag:s15] =	ssyncadd.s32 $0xFFFFFF80  }
0x3a: {  	[tilespmem:s16], [sflag:$0x2] =	stream.linear.gather [hbm4b:s31+s3], $0x80, $0x38;
	[tilespmem:$0x17D00] =	vst v63  }
0x3b: {  	_ =	swait.ge [sflag:s15], $0x80  }
0x3c: {  	[sflag:s15] =	ssyncset.done $0x0  }
0x3d: {  	[sflag:s15] =	ssyncadd.s32 $0xFFFFFF80  }
0x3e: {  	[tilespmem:s14], [sflag:$0x1] =	stream.indirect.gather [hbm4b:s4+s16], $0x80, s3, s16, $0xb8;
	[tilespmem:$0x17D00] =	vst v63  }
0x3f: {  	_ =	swait.ge [sflag:s17], $0x4000  }
0x40: {  	[sflag:s17] =	ssyncset.done $0x0  }
0x41: {  	[sflag:s17] =	ssyncadd.s32 $0xFFFFC000  }
0x42: {  	[spmem:s2] =	stream.indirect.scatter.add.f32 [tilespmem:s14], [sflag:$0x2], $0x80, s16, s16, $0xb8;
	[tilespmem:$0x17D00] =	vst v63  }
0x43: {  	_ =	swait.ge [sflag:s15], $0x4000  }
0x44: {  	s21 =	simm.s32 $0x10;
	s22 =	simm.s32 $0x20;
	[sflag:s15] =	ssyncset.done $0x0  }
.LBB2_4:
0x45: {  	s23 =	sadd.s32 s21, s13  }
0x46: {  	[sflag:s15] =	ssyncadd.s32 $0xFFFFC000;
	s24 =	smov.u32 s22;
	s25 =	sadd.s32 $0x10, s22  }
0x47: {  	[tilespmem:s3], [sflag:$0x2] =	stream.linear.gather [hbm4b:s23+s3], $0x80, $0x38;
	[tilespmem:$0x17D00] =	vst v63  }
0x48: {  	p0 =	sne.s32 s22, $0x4E0;
	_ =	swait.ge [sflag:s15], $0x80  }
0x49: {  	[sflag:s15] =	ssyncset.done $0x0  }
0x4a: {  	s22 =	sadd.s32 s21, s12;
	s21 =	smov.u32 s24;
	[sflag:s15] =	ssyncadd.s32 $0xFFFFFF80  }
0x4b: {  	[tilespmem:s16], [sflag:$0x2] =	stream.linear.gather [hbm4b:s22+s3], $0x80, $0x38;
	[tilespmem:$0x17D00] =	vst v63  }
0x4c: {  	_ =	swait.ge [sflag:s15], $0x80  }
0x4d: {  	[sflag:s15] =	ssyncset.done $0x0  }
0x4e: {  	[sflag:s15] =	ssyncadd.s32 $0xFFFFFF80  }
0x4f: {  	[tilespmem:s14], [sflag:$0x1] =	stream.indirect.gather [hbm4b:s4+s16], $0x80, s3, s16, $0xb8;
	[tilespmem:$0x17D00] =	vst v63  }
0x50: {  	_ =	swait.ge [sflag:s17], $0x4000  }
.Ltmp1:
0x51: {  	[sflag:s17] =	ssyncset.done $0x0;
	(pc) =	sbr.rel @p0 .LBB2_4-.Ltmp1, $4  }
0x52: {  	[sflag:s17] =	ssyncadd.s32 $0xFFFFC000  }
0x53: {  	[spmem:s2] =	stream.indirect.scatter.add.f32 [tilespmem:s14], [sflag:$0x2], $0x80, s16, s16, $0xb8;
	[tilespmem:$0x17D00] =	vst v63  }
0x54: {  	_ =	swait.ge [sflag:s15], $0x4000  }
0x55: {  	s22 =	smov.u32 s25;
	[sflag:s15] =	ssyncset.done $0x0  }
0x56: {  	s22 =	sadd.s32 s21, s13;
	[sflag:s15] =	ssyncadd.s32 $0xFFFFC000  }
0x57: {  	[tilespmem:s3], [sflag:$0x2] =	stream.linear.gather [hbm4b:s22+s3], $0x80, $0x38;
	[tilespmem:$0x17D00] =	vst v63  }
0x58: {  	_ =	swait.ge [sflag:s15], $0x80  }
0x59: {  	[sflag:s15] =	ssyncset.done $0x0  }
0x5a: {  	s31 =	sadd.s32 s21, s12;
	[sflag:s15] =	ssyncadd.s32 $0xFFFFFF80  }
0x5b: {  	[tilespmem:s16], [sflag:$0x2] =	stream.linear.gather [hbm4b:s31+s3], $0x80, $0x38;
	[tilespmem:$0x17D00] =	vst v63  }
0x5c: {  	_ =	swait.ge [sflag:s15], $0x80  }
0x5d: {  	[sflag:s15] =	ssyncset.done $0x0  }
0x5e: {  	[sflag:s15] =	ssyncadd.s32 $0xFFFFFF80  }
0x5f: {  	[tilespmem:s14], [sflag:$0x1] =	stream.indirect.gather [hbm4b:s4+s16], $0x80, s3, s16, $0xb8;
	[tilespmem:$0x17D00] =	vst v63  }
0x60: {  	_ =	swait.ge [sflag:s17], $0x4000  }
0x61: {  	[sflag:s17] =	ssyncset.done $0x0  }
0x62: {  	[sflag:s17] =	ssyncadd.s32 $0xFFFFC000  }
0x63: {  	[spmem:s2] =	stream.indirect.scatter.add.f32 [tilespmem:s14], [sflag:$0x2], $0x80, s16, s16, $0xb8;
	[tilespmem:$0x17D00] =	vst v63  }
0x64: {  	_ =	swait.ge [sflag:s15], $0x4000  }
0x65: {  	s20 =	sadd.s32 $0x1, s20;
	[sflag:s15] =	ssyncset.done $0x0  }
0x66: {  	p0 =	sne.s32 s20, s8;
	[sflag:s15] =	ssyncadd.s32 $0xFFFFC000  }
.Ltmp2:
0x67: {  	[bflag:$0x0] =	sbarrier.arrive $0xFFFF;
	(pc) =	sbr.rel @p0 .LBB2_1-.Ltmp2, $4  }
0x68: {  	[hbm:s7], [sflag:s18] =	dma.local [spmem:s19], $0x2780  }
0x69: {  	_ =	swait.ge [sflag:s15], $0x2780  }
0x6a: {  	[sflag:s15] =	ssyncset.done $0x0  }
0x6b: {  	[sflag:s15] =	ssyncadd.s32 $0xFFFFD880  }
0x6c: {  	_ =	sfence.sel $0x180000  }
0x6d: {  	[bflag:$0x0] =	sbarrier.arrive $0xFFFF  }
0x6e: {  	p0 =	sne.s32 s0, $0x0;
	_ =	strace $0x9000004A  }
0x6f: {  	s0 =	sadd.s32 @!p0 $0x100000, s1;
	[bflag:$0x2] =	sbarrier.arrive $0xFFFF  }
0x70: {  	[sflag:s0] =	ssyncadd.tile.s32 @!p0 $0x1;
	_ =	shalt  }
.Lfunc_end2:
_tile_overlayer_lowered:
.L_overlay_start_2:
0x71: {  	(tag) =	ssettag $0x2  }
0x72: {  	s0 =	rddreg [dreg:$0x0];
	s2 =	stileid.u32  }
0x73: {  	s1 =	rddreg [dreg:$0x1];
	p0 =	sne.s32 s2, $0x0  }
0x74: {  	s3 =	rddreg [dreg:$0x2];
	[bflag:$0x3] =	sbarrier.arrive $0xFFFF;
	s2 =	simm.s32 @!p0 $0x1C02  }
0x75: {  	[timem:s3], [sflag:s2] =	dma.local @!p0 [hbm:s0], s1  }
0x76: {  	s0 =	simm.s32 @!p0 $0x2  }
0x77: {  	_ =	swait.ge @!p0 [sflag:s0], s1  }
0x78: {  	s1 =	ssub.s32 @!p0 $0x0, s1;
	[sflag:s0] =	ssyncset.done @!p0 $0x0  }
0x79: {  	[sflag:s0] =	ssyncadd.s32 @!p0 s1  }
0x7a: {  	[bflag:$0x3] =	sbarrier.arrive $0xFFFF  }
0x7b: {  	_ =	shalt  }

// kernel: kernel.14.cloned.1.call-start
scs
__scs_entry_jumppad:
0x0: {  	(pc) =	sbr.rel $0x88, $3  }
0x1: {  	(tag) =	ssettag $0x0;
	lr =	simm.s32 $0x1  }
0x2: {  	[smem:$0x3F97] =	sst lr;
	_ =	strace $0xD0000000  }
0x3: {  	_ = 	snop  }
0x4: {  	_ = 	snop  }
0x5: {  	_ = 	snop  }
0x6: {  	_ = 	snop  }
0x7: {  	_ = 	snop  }
__scs_overlays_trampoline_lowered:
0x8: {  	[smem:$0x3FA6] =	sst s0  }
0x9: {  	[smem:$0x3FA7] =	sst s1  }
0xa: {  	[smem:$0x3FA8] =	sst s2  }
0xb: {  	[smem:$0x3FA9] =	sst s3  }
0xc: {  	[smem:$0x3FAA] =	sst s4  }
0xd: {  	[smem:$0x3FAB] =	sst s5  }
0xe: {  	[smem:$0x3FAC] =	sst s6  }
0xf: {  	[smem:$0x3FAD] =	sst s7  }
0x10: {  	[smem:$0x3FAE] =	sst s8  }
0x11: {  	[smem:$0x3FAF] =	sst s9;
	s0 =	simm.s32 @!p0 $0x0  }
0x12: {  	s1 =	sld [smem:$0x3F95];
	s0 =	simm.s32 @p0 $0x1  }
0x13: {  	[smem:$0x3FB0] =	sst s0;
	s0 =	simm.s32 @!p1 $0x0  }
0x14: {  	s2 =	sld [smem:$0x3F94];
	s0 =	simm.s32 @p1 $0x1  }
0x15: {  	[smem:$0x3FB1] =	sst s0;
	s0 =	simm.s32 @!p2 $0x0  }
0x16: {  	s3 =	sld [smem:$0x3FDB];
	s0 =	simm.s32 @p2 $0x1  }
0x17: {  	s4 =	simm.s32 $0x1BF5;
	[smem:$0x3FB3] =	sst s0  }
0x18: {  	s0 =	sld [smem:$0x3F96];
	_ =	swait.ge [sflag:s4], $0x0  }
0x19: {  	s7 =	sld [smem:$0x3F97]  }
0x1a: {  	s8 =	sadd.s32 $0xFFFFE003, lr  }
0x1b: {  	s9 =	sadd.s32 $0xFFFFFEF7, lr;
	s5 =	simm.s32 $0xFFFFFFFF;
	p2 =	slt.u32 s8, $0xFFFFF086  }
0x1c: {  	p1 =	slt.u32 s9, $0xF7A;
	s5 =	simm.s32 @!p2 $0x0  }
0x1d: {  	s5 =	simm.s32 @p1 $0x1;
	p0 =	seq.s32 s7, s2  }
0x1e: {  	s7 =	smul.u32 @!p0 $0xF7A, s2;
	p2 =	seq.s32 @!p0 s5, $0x0  }
0x1f: {  	s9 =	smul.u32 $0xF7A, s1;
	s8 =	simm.s32 @!p0 $0x1BF5;
	p2 =	por !p2, p0  }
0x20: {  	[sflag:s8] =	ssyncset.s32 @!p0 $0xFFFFF086;
	s6 =	sadd.s32 @!p0 s3, s7;
	s7 =	simm.s32 @!p0 $0x108  }
0x21: {  	s3 =	sadd.s32 s3, s9;
	s6 =	sadd.s32 @!p0 $0x88, s6;
	s7 =	simm.s32 @p2 $0x1082  }
0x22: {  	[simem:s7], [sflag:s8] =	dma.local @!p0 [hbm:s6], $0xF7A  }
0x23: {  	s9 =	sor.u32 $0xD0000000, s2;
	s6 =	simm.s32 $0x108;
	_ =	swait.ge @!p0 [sflag:s8], $0x0  }
0x24: {  	s3 =	sadd.s32 $0x88, s3;
	s6 =	simm.s32 @!p1 $0x1082;
	[sflag:s4] =	ssyncset.s32 $0xFFFFF086  }
0x25: {  	[simem:s6], [sflag:s4] =	dma.local [hbm:s3], $0xF7A  }
0x26: {  	[smem:$0x3F97] =	sst s1;
	(tag) =	ssettag s2;
	_ =	strace s9  }
0x27: {  	s1 =	sld [smem:$0x3FA7]  }
0x28: {  	s2 =	sld [smem:$0x3FA8]  }
0x29: {  	s4 =	sld [smem:$0x3FAA]  }
0x2a: {  	p0 =	seq.s32 s5, $0x0;
	s5 =	sld [smem:$0x3FAB]  }
0x2b: {  	s6 =	sld [smem:$0x3FAC]  }
0x2c: {  	s7 =	sld [smem:$0x3FAD]  }
0x2d: {  	s3 =	simm.s32 $0x108;
	s8 =	sld [smem:$0x3FAE]  }
0x2e: {  	s3 =	simm.s32 @!p0 $0x1082;
	s9 =	sld [smem:$0x3FAF]  }
0x2f: {  	lr =	sadd.s32 s0, s3;
	s0 =	sld [smem:$0x3FA6]  }
0x30: {  	s3 =	sld [smem:$0x3FA9]  }
0x31: {  	[smem:$0x3FB2] =	sst s10  }
0x32: {  	s10 =	sld [smem:$0x3FB0];
	_ =	sdelay $0x3  }
0x33: {  	p0 =	seq.s32 s10, $0x1;
	s10 =	sld [smem:$0x3FB2];
	_ =	sdelay $0x3  }
0x34: {  	[smem:$0x3FB2] =	sst s10  }
0x35: {  	s10 =	sld [smem:$0x3FB1];
	_ =	sdelay $0x3  }
0x36: {  	p1 =	seq.s32 s10, $0x1;
	s10 =	sld [smem:$0x3FB2];
	_ =	sdelay $0x3  }
0x37: {  	[smem:$0x3FB2] =	sst s10  }
0x38: {  	s10 =	sld [smem:$0x3FB3]  }
0x39: {  	_ = 	snop;
	(pc) =	sbr.ind lr, $3  }
0x3a: {  	_ = 	snop  }
0x3b: {  	_ = 	snop  }
0x3c: {  	p2 =	seq.s32 s10, $0x1;
	s10 =	sld [smem:$0x3FB2]  }
0x3d: {  	_ =	shalt  }
0x3e: {  	_ =	shalt  }
0x3f: {  	_ =	shalt  }
0x40: {  	_ =	shalt  }
0x41: {  	_ =	shalt  }
0x42: {  	_ =	shalt  }
0x43: {  	_ =	shalt  }
0x44: {  	_ =	shalt  }
0x45: {  	_ =	shalt  }
0x46: {  	_ =	shalt  }
0x47: {  	_ =	shalt  }
0x48: {  	_ =	shalt  }
0x49: {  	_ =	shalt  }
0x4a: {  	_ =	shalt  }
0x4b: {  	_ =	shalt  }
0x4c: {  	_ =	shalt  }
0x4d: {  	_ =	shalt  }
0x4e: {  	_ =	shalt  }
0x4f: {  	_ =	shalt  }
0x50: {  	_ =	shalt  }
0x51: {  	_ =	shalt  }
0x52: {  	_ =	shalt  }
0x53: {  	_ =	shalt  }
0x54: {  	_ =	shalt  }
0x55: {  	_ =	shalt  }
0x56: {  	_ =	shalt  }
0x57: {  	_ =	shalt  }
0x58: {  	_ =	shalt  }
0x59: {  	_ =	shalt  }
0x5a: {  	_ =	shalt  }
0x5b: {  	_ =	shalt  }
0x5c: {  	_ =	shalt  }
0x5d: {  	_ =	shalt  }
0x5e: {  	_ =	shalt  }
0x5f: {  	_ =	shalt  }
0x60: {  	_ =	shalt  }
0x61: {  	_ =	shalt  }
0x62: {  	_ =	shalt  }
0x63: {  	_ =	shalt  }
0x64: {  	_ =	shalt  }
0x65: {  	_ =	shalt  }
0x66: {  	_ =	shalt  }
0x67: {  	_ =	shalt  }
0x68: {  	_ =	shalt  }
0x69: {  	_ =	shalt  }
0x6a: {  	_ =	shalt  }
0x6b: {  	_ =	shalt  }
0x6c: {  	_ =	shalt  }
0x6d: {  	_ =	shalt  }
0x6e: {  	_ =	shalt  }
0x6f: {  	_ =	shalt  }
0x70: {  	_ =	shalt  }
0x71: {  	_ =	shalt  }
0x72: {  	_ =	shalt  }
0x73: {  	_ =	shalt  }
0x74: {  	_ =	shalt  }
0x75: {  	_ =	shalt  }
0x76: {  	_ =	shalt  }
0x77: {  	_ =	shalt  }
0x78: {  	_ =	shalt  }
0x79: {  	_ =	shalt  }
0x7a: {  	_ =	shalt  }
0x7b: {  	_ =	shalt  }
0x7c: {  	_ =	shalt  }
0x7d: {  	_ =	shalt  }
0x7e: {  	_ =	shalt  }
0x7f: {  	_ =	shalt  }
0x80: {  	_ =	shalt  }
0x81: {  	_ =	shalt  }
0x82: {  	_ =	shalt  }
0x83: {  	_ =	shalt  }
0x84: {  	_ =	shalt  }
0x85: {  	_ =	shalt  }
0x86: {  	_ =	shalt  }
0x87: {  	_ =	shalt  }
.Lfunc_end0:
.L_simem_size_0:
called_computation.2_lowered:
.L_overlay_start_0:
0x88: {  	s2 =	sld [smem:$0x3FD9]  }
0x89: {  	s3 =	sld [smem:$0x3FFE];
	_ =	sdelay $0x1  }
0x8a: {  	s1 =	srdreg.scid  }
0x8b: {  	s0 =	sand.u32 $0x1, s1  }
0x8c: {  	s17 =	sshll.u32 s0, $0xA;
	s2 =	sadd.s32 s3, s2  }
0x8d: {  	s2 =	sadd.s32 s2, s17  }
0x8e: {  	[smem:$0x3FBE] =	sst s2  }
0x8f: {  	_ = 	snop  }
0x90: {  	s2 =	sld [smem:$0x3FD0];
	(tm) =	ssettm $0x1  }
0x91: {  	s18 =	sld [smem:$0x3FFB];
	_ =	sdelay $0x3  }
0x92: {  	_ =	strace s18  }
0x93: {  	s3 =	sld [smem:$0x3FFC];
	_ =	sdelay $0x3  }
0x94: {  	_ =	strace s3  }
0x95: {  	s3 =	sld [smem:$0x3FFD];
	_ =	sdelay $0x3  }
0x96: {  	_ =	strace s3  }
0x97: {  	_ =	strace $0x8FFFFFFF  }
0x98: {  	s19 =	sld [smem:$0x3FDB];
	_ =	sdelay $0x1  }
0x99: {  	s4 =	simm.s32 $_scs_section_size  }
0x9a: {  	s5 =	simm.s32 $_size__tile_overlayer_lowered;
	s6 =	simm.s32 $_tile_overlayer_lowered  }
0x9b: {  	s22 =	simm.s32 $0x1BFF;
	s21 =	sshll.u32 s6, $0x1;
	s3 =	sadd.s32 s4, s19  }
0x9c: {  	s7 =	simm.s32 $0x0;
	s20 =	sshll.u32 s5, $0x1;
	s5 =	sadd.s32 s21, s3  }
0x9d: {  	[timem:s7], [sflag:s22] =	dma.local [hbm:s5], s20  }
0x9e: {  	_ =	swait.ge [sflag:s22], s20  }
0x9f: {  	s4 =	ssub.s32 $0x0, s20;
	[sflag:s22] =	ssyncset.done $0x0  }
0xa0: {  	[sflag:s22] =	ssyncadd.s32 s4;
	_ =	sdelay $0x1  }
0xa1: {  	s23 =	simm.s32 $0x1B8B  }
0xa2: {  	_ =	swait.ge [sflag:s23], $0x1  }
0xa3: {  	[sflag:s23] =	ssyncset.done $0x0  }
0xa4: {  	s25 =	simm.s32 $0x1B8E;
	s24 =	sld [smem:$0x3FFE];
	[sflag:s23] =	ssyncadd.s32 $0xFFFFFFFF  }
0xa5: {  	s26 =	simm.s32 $execute0_lowered;
	[smem:$0x3FD2] =	sst s25  }
0xa6: {  	s5 =	sshll.u32 s26, $0x1;
	_ =	strace $0x8000004C;
	[dreg:$0x1] =	wrdreg $0xFFFFFFFF  }
0xa7: {  	s28 =	simm.s32 $_size_execute0_lowered;
	s3 =	sadd.s32 s3, s5;
	[dreg:$0x0] =	wrdreg $0x0  }
0xa8: {  	s5 =	sshll.u32 s28, $0x1;
	[dreg:$0x2] =	wrdreg s3  }
0xa9: {  	[dreg:$0x3] =	wrdreg s5  }
0xaa: {  	[dreg:$0x4] =	wrdreg $0xC0  }
0xab: {  	_ =	task [dreg:s7], $0x5FFFF  }
0xac: {  	[dreg:$0x1] =	wrdreg $0xFFFFFFFF  }
0xad: {  	[dreg:$0x0] =	wrdreg $0x60  }
0xae: {  	[dreg:$0x2] =	wrdreg s24  }
0xaf: {  	[dreg:$0x3] =	wrdreg s2  }
0xb0: {  	[dreg:$0x4] =	wrdreg $0x41000  }
0xb1: {  	[dreg:$0x5] =	wrdreg $0x9  }
0xb2: {  	_ =	task.clear_ibuf [dreg:s7], $0x6FFFF;
	_ =	strace $0x9000004C  }
0xb3: {  	s29 =	simm.s32 $0x9;
	_ =	strace $0x8000004E  }
0xb4: {  	_ =	swait.ge [sflag:s29], $0x1  }
0xb5: {  	[sflag:s29] =	ssyncadd.s32 $0xFFFFFFFF  }
0xb6: {  	_ =	strace $0x9000004E  }
0xb7: {  	_ =	sfence  }
0xb8: {  	s30 =	sld [smem:$0x0];
	_ =	sdelay $0x2  }
0xb9: {  	s31 =	sshll.u32 s1, $0xD;
	s1 =	sshrl.u32 s1, $0x2  }
0xba: {  	s3 =	sand.u32 $0x4000, s31;
	s1 =	sadd.s32 s1, s30  }
0xbb: {  	s0 =	sor.u32 s3, s0;
	s1 =	sshll.u32 s1, $0x11  }
0xbc: {  	s0 =	sor.u32 s1, s0  }
0xbd: {  	s0 =	sadd.s32 $0x8F2B, s0  }
0xbe: {  	[sflag:s0] =	ssyncadd.remote.s32 $0x1  }
0xbf: {  	_ =	sfence.sel $0xFFFF  }
0xc0: {  	[dreg:$0x0] =	wrdreg $0xFFFFFFFF;
	(pc) =	sbr.abs _section_cstart, $3  }
0xc1: {  	[dreg:$0x1] =	wrdreg $0xFFFFFFFF  }
0xc2: {  	_ =	task.clear_ibuf [dreg:s7], $0x2FFFF;
	_ =	strace $0x9FFFFFFF  }
0xc3: {  	(tm) =	ssettm $0x7FFFFFFF  }
tec
execute0_lowered:
.L_overlay_start_1:
0x0: {  	(tag) =	ssettag $0x1  }
0x1: {  	s6 =	rddreg [dreg:$0x0];
	s0 =	stileid.u32  }
0x2: {  	s1 =	srdreg.scid;
	s11 =	rddreg [dreg:$0x1]  }
0x3: {  	s2 =	rddreg [dreg:$0x2];
	s3 =	simm.s32 $0x0;
	s15 =	simm.s32 $0x2  }
0x4: {  	s16 =	simm.s32 $0x80;
	s17 =	simm.s32 $0x1;
	s12 =	smul.u32 $0x9E0, s0  }
0x5: {  	s9 =	sand.u32 $0x1, s1;
	s1 =	rddreg [dreg:$0x3];
	s7 =	smul.u32 $0x13C00, s0  }
0x6: {  	s20 =	simm.s32 $0x0;
	[smem:$0x7FF] =	sst s3;
	s8 =	smul.u32 $0x4F000, s0  }
0x7: {  	s4 =	sadd.s32 $0x5B400, s6;
	s18 =	sshll.u32 s0, $0x6;
	s5 =	smul.u32 $0x13C000, s9  }
0x8: {  	_ =	strace $0x8000004D;
	s28 =	ssub.s32 $0x2, s9;
	s31 =	smul.u32 $0x4F0, s9  }
0x9: {  	s18 =	sor.u32 $0x1C02, s18;
	s13 =	sadd.s32 s12, s6;
	s8 =	sshrl.u32 s8, $0x2  }
0xa: {  	s14 =	sshrl.u32 s28, $0x1;
	s12 =	sadd.s32 s12, s11;
	s5 =	sadd.s32 s7, s5  }
0xb: {  	s30 =	ssub.s32 s28, s14;
	s12 =	sadd.s32 s31, s12;
	s13 =	sadd.s32 s31, s13  }
0xc: {  	s14 =	simm.s32 $0x100;
	s10 =	sshrl.u32 s5, $0x3;
	s5 =	sadd.s32 s8, s2  }
0xd: {  	s8 =	smax.u32 s30, $0x1;
	s13 =	sadd.s32 $0x51600, s13;
	s29 =	sadd.s32 s10, s6  }
0xe: {  	s6 =	sadd.s32 $0x10000, s5;
	s9 =	sadd.s32 $0x4000, s5;
	s10 =	sadd.s32 $0x8000, s5  }
0xf: {  	v0 =	vimm.f32 $0.0e+00;
	s11 =	sadd.s32 $0xC000, s5;
	s19 =	sshrl.u32 s5, $0x3;
	s7 =	sadd.s32 $0x82600, s29  }
.LBB2_1:
0x10: {  	s21 =	simm.s32 $0x0;
	s22 =	simm.s32 $0x200  }
.LBB2_2:
0x11: {  	p0 =	sne.s32 s22, $0xFE00;
	[tilespmem:s21+$0x170] =	vst v0  }
0x12: {  	[tilespmem:s21+$0x100] =	vst v0  }
0x13: {  	[tilespmem:s21+$0x110] =	vst v0  }
.Ltmp0:
0x14: {  	[tilespmem:s21+$0x120] =	vst v0;
	(pc) =	sbr.rel @p0 .LBB2_2-.Ltmp0, $4  }
0x15: {  	[tilespmem:s21+$0x130] =	vst v0  }
0x16: {  	[tilespmem:s21+$0x140] =	vst v0  }
0x17: {  	[tilespmem:s21+$0x150] =	vst v0  }
0x18: {  	[tilespmem:s21+$0x160] =	vst v0;
	s21 =	sshra.s32 s22, $0x2;
	s22 =	sadd.s32 $0x200, s22  }
0x19: {  	[tilespmem:s21+$0x170] =	vst v0  }
0x1a: {  	[tilespmem:s21+$0x100] =	vst v0  }
0x1b: {  	[tilespmem:s21+$0x110] =	vst v0  }
0x1c: {  	[tilespmem:s21+$0x120] =	vst v0  }
0x1d: {  	[tilespmem:s21+$0x130] =	vst v0  }
0x1e: {  	[tilespmem:s21+$0x140] =	vst v0  }
0x1f: {  	[tilespmem:s21+$0x150] =	vst v0  }
0x20: {  	[tilespmem:s21+$0x160] =	vst v0  }
0x21: {  	[spmem:s5] =	stream.linear.scatter [tilespmem:s14], [sflag:$0x2], $0x4000, $0x38;
	[tilespmem:$0x17D00] =	vst v63  }
0x22: {  	_ =	swait.ge [sflag:s15], $0x4000  }
0x23: {  	[sflag:s15] =	ssyncset.done $0x0  }
0x24: {  	[sflag:s15] =	ssyncadd.s32 $0xFFFFC000  }
0x25: {  	[spmem:s9] =	stream.linear.scatter [tilespmem:s14], [sflag:$0x2], $0x4000, $0x38;
	[tilespmem:$0x17D00] =	vst v63  }
0x26: {  	_ =	swait.ge [sflag:s15], $0x4000  }
0x27: {  	[sflag:s15] =	ssyncset.done $0x0  }
0x28: {  	[sflag:s15] =	ssyncadd.s32 $0xFFFFC000  }
0x29: {  	[spmem:s10] =	stream.linear.scatter [tilespmem:s14], [sflag:$0x2], $0x4000, $0x38;
	[tilespmem:$0x17D00] =	vst v63  }
0x2a: {  	_ =	swait.ge [sflag:s15], $0x4000  }
0x2b: {  	[sflag:s15] =	ssyncset.done $0x0  }
0x2c: {  	[sflag:s15] =	ssyncadd.s32 $0xFFFFC000  }
0x2d: {  	[spmem:s11] =	stream.linear.scatter [tilespmem:s14], [sflag:$0x2], $0x4000, $0x38;
	[tilespmem:$0x17D00] =	vst v63  }
0x2e: {  	_ =	swait.ge [sflag:s15], $0x4000  }
0x2f: {  	[sflag:s15] =	ssyncset.done $0x0  }
0x30: {  	[sflag:s15] =	ssyncadd.s32 $0xFFFFC000  }
0x31: {  	[spmem:s6] =	stream.linear.scatter [tilespmem:s14], [sflag:$0x2], $0x3C00, $0x38;
	[tilespmem:$0x17D00] =	vst v63  }
0x32: {  	_ =	swait.ge [sflag:s15], $0x3C00  }
0x33: {  	[sflag:s15] =	ssyncset.done $0x0  }
0x34: {  	[sflag:s15] =	ssyncadd.s32 $0xFFFFC400  }
0x35: {  	s30 =	sadd.s32 $0x0, s13;
	[bflag:$0x0] =	sbarrier.arrive $0xFFFF  }
0x36: {  	[tilespmem:s3], [sflag:$0x2] =	stream.linear.gather [hbm4b:s30+s3], $0x80, $0x38;
	[tilespmem:$0x17D00] =	vst v63  }
0x37: {  	_ =	swait.ge [sflag:s15], $0x80  }
0x38: {  	[sflag:s15] =	ssyncset.done $0x0  }
0x39: {  	s31 =	sadd.s32 $0x0, s12;
	[sflag:s15] =	ssyncadd.s32 $0xFFFFFF80  }
0x3a: {  	[tilespmem:s16], [sflag:$0x2] =	stream.linear.gather [hbm4b:s31+s3], $0x80, $0x38;
	[tilespmem:$0x17D00] =	vst v63  }
0x3b: {  	_ =	swait.ge [sflag:s15], $0x80  }
0x3c: {  	[sflag:s15] =	ssyncset.done $0x0  }
0x3d: {  	[sflag:s15] =	ssyncadd.s32 $0xFFFFFF80  }
0x3e: {  	[tilespmem:s14], [sflag:$0x1] =	stream.indirect.gather [hbm4b:s4+s16], $0x80, s3, s16, $0xb8;
	[tilespmem:$0x17D00] =	vst v63  }
0x3f: {  	_ =	swait.ge [sflag:s17], $0x4000  }
0x40: {  	[sflag:s17] =	ssyncset.done $0x0  }
0x41: {  	[sflag:s17] =	ssyncadd.s32 $0xFFFFC000  }
0x42: {  	[spmem:s2] =	stream.indirect.scatter.add.f32 [tilespmem:s14], [sflag:$0x2], $0x80, s16, s16, $0xb8;
	[tilespmem:$0x17D00] =	vst v63  }
0x43: {  	_ =	swait.ge [sflag:s15], $0x4000  }
0x44: {  	s21 =	simm.s32 $0x10;
	s22 =	simm.s32 $0x20;
	[sflag:s15] =	ssyncset.done $0x0  }
.LBB2_4:
0x45: {  	s23 =	sadd.s32 s21, s13  }
0x46: {  	[sflag:s15] =	ssyncadd.s32 $0xFFFFC000;
	s24 =	smov.u32 s22;
	s25 =	sadd.s32 $0x10, s22  }
0x47: {  	[tilespmem:s3], [sflag:$0x2] =	stream.linear.gather [hbm4b:s23+s3], $0x80, $0x38;
	[tilespmem:$0x17D00] =	vst v63  }
0x48: {  	p0 =	sne.s32 s22, $0x4E0;
	_ =	swait.ge [sflag:s15], $0x80  }
0x49: {  	[sflag:s15] =	ssyncset.done $0x0  }
0x4a: {  	s22 =	sadd.s32 s21, s12;
	s21 =	smov.u32 s24;
	[sflag:s15] =	ssyncadd.s32 $0xFFFFFF80  }
0x4b: {  	[tilespmem:s16], [sflag:$0x2] =	stream.linear.gather [hbm4b:s22+s3], $0x80, $0x38;
	[tilespmem:$0x17D00] =	vst v63  }
0x4c: {  	_ =	swait.ge [sflag:s15], $0x80  }
0x4d: {  	[sflag:s15] =	ssyncset.done $0x0  }
0x4e: {  	[sflag:s15] =	ssyncadd.s32 $0xFFFFFF80  }
0x4f: {  	[tilespmem:s14], [sflag:$0x1] =	stream.indirect.gather [hbm4b:s4+s16], $0x80, s3, s16, $0xb8;
	[tilespmem:$0x17D00] =	vst v63  }
0x50: {  	_ =	swait.ge [sflag:s17], $0x4000  }
.Ltmp1:
0x51: {  	[sflag:s17] =	ssyncset.done $0x0;
	(pc) =	sbr.rel @p0 .LBB2_4-.Ltmp1, $4  }
0x52: {  	[sflag:s17] =	ssyncadd.s32 $0xFFFFC000  }
0x53: {  	[spmem:s2] =	stream.indirect.scatter.add.f32 [tilespmem:s14], [sflag:$0x2], $0x80, s16, s16, $0xb8;
	[tilespmem:$0x17D00] =	vst v63  }
0x54: {  	_ =	swait.ge [sflag:s15], $0x4000  }
0x55: {  	s22 =	smov.u32 s25;
	[sflag:s15] =	ssyncset.done $0x0  }
0x56: {  	s22 =	sadd.s32 s21, s13;
	[sflag:s15] =	ssyncadd.s32 $0xFFFFC000  }
0x57: {  	[tilespmem:s3], [sflag:$0x2] =	stream.linear.gather [hbm4b:s22+s3], $0x80, $0x38;
	[tilespmem:$0x17D00] =	vst v63  }
0x58: {  	_ =	swait.ge [sflag:s15], $0x80  }
0x59: {  	[sflag:s15] =	ssyncset.done $0x0  }
0x5a: {  	s31 =	sadd.s32 s21, s12;
	[sflag:s15] =	ssyncadd.s32 $0xFFFFFF80  }
0x5b: {  	[tilespmem:s16], [sflag:$0x2] =	stream.linear.gather [hbm4b:s31+s3], $0x80, $0x38;
	[tilespmem:$0x17D00] =	vst v63  }
0x5c: {  	_ =	swait.ge [sflag:s15], $0x80  }
0x5d: {  	[sflag:s15] =	ssyncset.done $0x0  }
0x5e: {  	[sflag:s15] =	ssyncadd.s32 $0xFFFFFF80  }
0x5f: {  	[tilespmem:s14], [sflag:$0x1] =	stream.indirect.gather [hbm4b:s4+s16], $0x80, s3, s16, $0xb8;
	[tilespmem:$0x17D00] =	vst v63  }
0x60: {  	_ =	swait.ge [sflag:s17], $0x4000  }
0x61: {  	[sflag:s17] =	ssyncset.done $0x0  }
0x62: {  	[sflag:s17] =	ssyncadd.s32 $0xFFFFC000  }
0x63: {  	[spmem:s2] =	stream.indirect.scatter.add.f32 [tilespmem:s14], [sflag:$0x2], $0x80, s16, s16, $0xb8;
	[tilespmem:$0x17D00] =	vst v63  }
0x64: {  	_ =	swait.ge [sflag:s15], $0x4000  }
0x65: {  	s20 =	sadd.s32 $0x1, s20;
	[sflag:s15] =	ssyncset.done $0x0  }
0x66: {  	p0 =	sne.s32 s20, s8;
	[sflag:s15] =	ssyncadd.s32 $0xFFFFC000  }
.Ltmp2:
0x67: {  	[bflag:$0x0] =	sbarrier.arrive $0xFFFF;
	(pc) =	sbr.rel @p0 .LBB2_1-.Ltmp2, $4  }
0x68: {  	[hbm:s7], [sflag:s18] =	dma.local [spmem:s19], $0x2780  }
0x69: {  	_ =	swait.ge [sflag:s15], $0x2780  }
0x6a: {  	[sflag:s15] =	ssyncset.done $0x0  }
0x6b: {  	[sflag:s15] =	ssyncadd.s32 $0xFFFFD880  }
0x6c: {  	_ =	sfence.sel $0x180000  }
0x6d: {  	[bflag:$0x0] =	sbarrier.arrive $0xFFFF  }
0x6e: {  	p0 =	sne.s32 s0, $0x0;
	_ =	strace $0x9000004D  }
0x6f: {  	s0 =	sadd.s32 @!p0 $0x100000, s1;
	[bflag:$0x2] =	sbarrier.arrive $0xFFFF  }
0x70: {  	[sflag:s0] =	ssyncadd.tile.s32 @!p0 $0x1;
	_ =	shalt  }
.Lfunc_end2:
_tile_overlayer_lowered:
.L_overlay_start_2:
0x71: {  	(tag) =	ssettag $0x2  }
0x72: {  	s0 =	rddreg [dreg:$0x0];
	s2 =	stileid.u32  }
0x73: {  	s1 =	rddreg [dreg:$0x1];
	p0 =	sne.s32 s2, $0x0  }
0x74: {  	s3 =	rddreg [dreg:$0x2];
	[bflag:$0x3] =	sbarrier.arrive $0xFFFF;
	s2 =	simm.s32 @!p0 $0x1C02  }
0x75: {  	[timem:s3], [sflag:s2] =	dma.local @!p0 [hbm:s0], s1  }
0x76: {  	s0 =	simm.s32 @!p0 $0x2  }
0x77: {  	_ =	swait.ge @!p0 [sflag:s0], s1  }
0x78: {  	s1 =	ssub.s32 @!p0 $0x0, s1;
	[sflag:s0] =	ssyncset.done @!p0 $0x0  }
0x79: {  	[sflag:s0] =	ssyncadd.s32 @!p0 s1  }
0x7a: {  	[bflag:$0x3] =	sbarrier.arrive $0xFFFF  }
0x7b: {  	_ =	shalt  }

// kernel: kernel.8.cloned.1.call-start
scs
__scs_entry_jumppad:
0x0: {  	(pc) =	sbr.rel $0x88, $3  }
0x1: {  	(tag) =	ssettag $0x0;
	lr =	simm.s32 $0x1  }
0x2: {  	[smem:$0x3F97] =	sst lr;
	_ =	strace $0xD0000000  }
0x3: {  	_ = 	snop  }
0x4: {  	_ = 	snop  }
0x5: {  	_ = 	snop  }
0x6: {  	_ = 	snop  }
0x7: {  	_ = 	snop  }
__scs_overlays_trampoline_lowered:
0x8: {  	[smem:$0x3FA6] =	sst s0  }
0x9: {  	[smem:$0x3FA7] =	sst s1  }
0xa: {  	[smem:$0x3FA8] =	sst s2  }
0xb: {  	[smem:$0x3FA9] =	sst s3  }
0xc: {  	[smem:$0x3FAA] =	sst s4  }
0xd: {  	[smem:$0x3FAB] =	sst s5  }
0xe: {  	[smem:$0x3FAC] =	sst s6  }
0xf: {  	[smem:$0x3FAD] =	sst s7  }
0x10: {  	[smem:$0x3FAE] =	sst s8  }
0x11: {  	[smem:$0x3FAF] =	sst s9;
	s0 =	simm.s32 @!p0 $0x0  }
0x12: {  	s1 =	sld [smem:$0x3F95];
	s0 =	simm.s32 @p0 $0x1  }
0x13: {  	[smem:$0x3FB0] =	sst s0;
	s0 =	simm.s32 @!p1 $0x0  }
0x14: {  	s2 =	sld [smem:$0x3F94];
	s0 =	simm.s32 @p1 $0x1  }
0x15: {  	[smem:$0x3FB1] =	sst s0;
	s0 =	simm.s32 @!p2 $0x0  }
0x16: {  	s3 =	sld [smem:$0x3FDB];
	s0 =	simm.s32 @p2 $0x1  }
0x17: {  	s4 =	simm.s32 $0x1BF5;
	[smem:$0x3FB3] =	sst s0  }
0x18: {  	s0 =	sld [smem:$0x3F96];
	_ =	swait.ge [sflag:s4], $0x0  }
0x19: {  	s7 =	sld [smem:$0x3F97]  }
0x1a: {  	s8 =	sadd.s32 $0xFFFFE003, lr  }
0x1b: {  	s9 =	sadd.s32 $0xFFFFFEF7, lr;
	s5 =	simm.s32 $0xFFFFFFFF;
	p2 =	slt.u32 s8, $0xFFFFF086  }
0x1c: {  	p1 =	slt.u32 s9, $0xF7A;
	s5 =	simm.s32 @!p2 $0x0  }
0x1d: {  	s5 =	simm.s32 @p1 $0x1;
	p0 =	seq.s32 s7, s2  }
0x1e: {  	s7 =	smul.u32 @!p0 $0xF7A, s2;
	p2 =	seq.s32 @!p0 s5, $0x0  }
0x1f: {  	s9 =	smul.u32 $0xF7A, s1;
	s8 =	simm.s32 @!p0 $0x1BF5;
	p2 =	por !p2, p0  }
0x20: {  	[sflag:s8] =	ssyncset.s32 @!p0 $0xFFFFF086;
	s6 =	sadd.s32 @!p0 s3, s7;
	s7 =	simm.s32 @!p0 $0x108  }
0x21: {  	s3 =	sadd.s32 s3, s9;
	s6 =	sadd.s32 @!p0 $0x88, s6;
	s7 =	simm.s32 @p2 $0x1082  }
0x22: {  	[simem:s7], [sflag:s8] =	dma.local @!p0 [hbm:s6], $0xF7A  }
0x23: {  	s9 =	sor.u32 $0xD0000000, s2;
	s6 =	simm.s32 $0x108;
	_ =	swait.ge @!p0 [sflag:s8], $0x0  }
0x24: {  	s3 =	sadd.s32 $0x88, s3;
	s6 =	simm.s32 @!p1 $0x1082;
	[sflag:s4] =	ssyncset.s32 $0xFFFFF086  }
0x25: {  	[simem:s6], [sflag:s4] =	dma.local [hbm:s3], $0xF7A  }
0x26: {  	[smem:$0x3F97] =	sst s1;
	(tag) =	ssettag s2;
	_ =	strace s9  }
0x27: {  	s1 =	sld [smem:$0x3FA7]  }
0x28: {  	s2 =	sld [smem:$0x3FA8]  }
0x29: {  	s4 =	sld [smem:$0x3FAA]  }
0x2a: {  	p0 =	seq.s32 s5, $0x0;
	s5 =	sld [smem:$0x3FAB]  }
0x2b: {  	s6 =	sld [smem:$0x3FAC]  }
0x2c: {  	s7 =	sld [smem:$0x3FAD]  }
0x2d: {  	s3 =	simm.s32 $0x108;
	s8 =	sld [smem:$0x3FAE]  }
0x2e: {  	s3 =	simm.s32 @!p0 $0x1082;
	s9 =	sld [smem:$0x3FAF]  }
0x2f: {  	lr =	sadd.s32 s0, s3;
	s0 =	sld [smem:$0x3FA6]  }
0x30: {  	s3 =	sld [smem:$0x3FA9]  }
0x31: {  	[smem:$0x3FB2] =	sst s10  }
0x32: {  	s10 =	sld [smem:$0x3FB0];
	_ =	sdelay $0x3  }
0x33: {  	p0 =	seq.s32 s10, $0x1;
	s10 =	sld [smem:$0x3FB2];
	_ =	sdelay $0x3  }
0x34: {  	[smem:$0x3FB2] =	sst s10  }
0x35: {  	s10 =	sld [smem:$0x3FB1];
	_ =	sdelay $0x3  }
0x36: {  	p1 =	seq.s32 s10, $0x1;
	s10 =	sld [smem:$0x3FB2];
	_ =	sdelay $0x3  }
0x37: {  	[smem:$0x3FB2] =	sst s10  }
0x38: {  	s10 =	sld [smem:$0x3FB3]  }
0x39: {  	_ = 	snop;
	(pc) =	sbr.ind lr, $3  }
0x3a: {  	_ = 	snop  }
0x3b: {  	_ = 	snop  }
0x3c: {  	p2 =	seq.s32 s10, $0x1;
	s10 =	sld [smem:$0x3FB2]  }
0x3d: {  	_ =	shalt  }
0x3e: {  	_ =	shalt  }
0x3f: {  	_ =	shalt  }
0x40: {  	_ =	shalt  }
0x41: {  	_ =	shalt  }
0x42: {  	_ =	shalt  }
0x43: {  	_ =	shalt  }
0x44: {  	_ =	shalt  }
0x45: {  	_ =	shalt  }
0x46: {  	_ =	shalt  }
0x47: {  	_ =	shalt  }
0x48: {  	_ =	shalt  }
0x49: {  	_ =	shalt  }
0x4a: {  	_ =	shalt  }
0x4b: {  	_ =	shalt  }
0x4c: {  	_ =	shalt  }
0x4d: {  	_ =	shalt  }
0x4e: {  	_ =	shalt  }
0x4f: {  	_ =	shalt  }
0x50: {  	_ =	shalt  }
0x51: {  	_ =	shalt  }
0x52: {  	_ =	shalt  }
0x53: {  	_ =	shalt  }
0x54: {  	_ =	shalt  }
0x55: {  	_ =	shalt  }
0x56: {  	_ =	shalt  }
0x57: {  	_ =	shalt  }
0x58: {  	_ =	shalt  }
0x59: {  	_ =	shalt  }
0x5a: {  	_ =	shalt  }
0x5b: {  	_ =	shalt  }
0x5c: {  	_ =	shalt  }
0x5d: {  	_ =	shalt  }
0x5e: {  	_ =	shalt  }
0x5f: {  	_ =	shalt  }
0x60: {  	_ =	shalt  }
0x61: {  	_ =	shalt  }
0x62: {  	_ =	shalt  }
0x63: {  	_ =	shalt  }
0x64: {  	_ =	shalt  }
0x65: {  	_ =	shalt  }
0x66: {  	_ =	shalt  }
0x67: {  	_ =	shalt  }
0x68: {  	_ =	shalt  }
0x69: {  	_ =	shalt  }
0x6a: {  	_ =	shalt  }
0x6b: {  	_ =	shalt  }
0x6c: {  	_ =	shalt  }
0x6d: {  	_ =	shalt  }
0x6e: {  	_ =	shalt  }
0x6f: {  	_ =	shalt  }
0x70: {  	_ =	shalt  }
0x71: {  	_ =	shalt  }
0x72: {  	_ =	shalt  }
0x73: {  	_ =	shalt  }
0x74: {  	_ =	shalt  }
0x75: {  	_ =	shalt  }
0x76: {  	_ =	shalt  }
0x77: {  	_ =	shalt  }
0x78: {  	_ =	shalt  }
0x79: {  	_ =	shalt  }
0x7a: {  	_ =	shalt  }
0x7b: {  	_ =	shalt  }
0x7c: {  	_ =	shalt  }
0x7d: {  	_ =	shalt  }
0x7e: {  	_ =	shalt  }
0x7f: {  	_ =	shalt  }
0x80: {  	_ =	shalt  }
0x81: {  	_ =	shalt  }
0x82: {  	_ =	shalt  }
0x83: {  	_ =	shalt  }
0x84: {  	_ =	shalt  }
0x85: {  	_ =	shalt  }
0x86: {  	_ =	shalt  }
0x87: {  	_ =	shalt  }
.Lfunc_end0:
.L_simem_size_0:
called_computation_lowered:
.L_overlay_start_0:
0x88: {  	s2 =	sld [smem:$0x3FD9]  }
0x89: {  	s3 =	sld [smem:$0x3FFE];
	_ =	sdelay $0x1  }
0x8a: {  	s1 =	srdreg.scid  }
0x8b: {  	s0 =	sand.u32 $0x1, s1  }
0x8c: {  	s17 =	sshll.u32 s0, $0xA;
	s2 =	sadd.s32 s3, s2  }
0x8d: {  	s2 =	sadd.s32 s2, s17  }
0x8e: {  	[smem:$0x3FBE] =	sst s2  }
0x8f: {  	_ = 	snop  }
0x90: {  	s2 =	sld [smem:$0x3FD0];
	(tm) =	ssettm $0x1  }
0x91: {  	s18 =	sld [smem:$0x3FFB];
	_ =	sdelay $0x3  }
0x92: {  	_ =	strace s18  }
0x93: {  	s3 =	sld [smem:$0x3FFC];
	_ =	sdelay $0x3  }
0x94: {  	_ =	strace s3  }
0x95: {  	s3 =	sld [smem:$0x3FFD];
	_ =	sdelay $0x3  }
0x96: {  	_ =	strace s3  }
0x97: {  	_ =	strace $0x8FFFFFFF  }
0x98: {  	s19 =	sld [smem:$0x3FDB];
	_ =	sdelay $0x1  }
0x99: {  	s4 =	simm.s32 $_scs_section_size  }
0x9a: {  	s5 =	simm.s32 $_size__tile_overlayer_lowered;
	s6 =	simm.s32 $_tile_overlayer_lowered  }
0x9b: {  	s22 =	simm.s32 $0x1BFF;
	s21 =	sshll.u32 s6, $0x1;
	s3 =	sadd.s32 s4, s19  }
0x9c: {  	s7 =	simm.s32 $0x0;
	s20 =	sshll.u32 s5, $0x1;
	s5 =	sadd.s32 s21, s3  }
0x9d: {  	[timem:s7], [sflag:s22] =	dma.local [hbm:s5], s20  }
0x9e: {  	_ =	swait.ge [sflag:s22], s20  }
0x9f: {  	s4 =	ssub.s32 $0x0, s20;
	[sflag:s22] =	ssyncset.done $0x0  }
0xa0: {  	[sflag:s22] =	ssyncadd.s32 s4;
	_ =	sdelay $0x1  }
0xa1: {  	s23 =	simm.s32 $0x1B8B  }
0xa2: {  	_ =	swait.ge [sflag:s23], $0x1  }
0xa3: {  	[sflag:s23] =	ssyncset.done $0x0  }
0xa4: {  	s25 =	simm.s32 $0x1B8E;
	s24 =	sld [smem:$0x3FFE];
	[sflag:s23] =	ssyncadd.s32 $0xFFFFFFFF  }
0xa5: {  	s26 =	simm.s32 $execute0_lowered;
	[smem:$0x3FD2] =	sst s25  }
0xa6: {  	s5 =	sshll.u32 s26, $0x1;
	_ =	strace $0x80000046;
	[dreg:$0x1] =	wrdreg $0xFFFFFFFF  }
0xa7: {  	s28 =	simm.s32 $_size_execute0_lowered;
	s3 =	sadd.s32 s3, s5;
	[dreg:$0x0] =	wrdreg $0x0  }
0xa8: {  	s5 =	sshll.u32 s28, $0x1;
	[dreg:$0x2] =	wrdreg s3  }
0xa9: {  	[dreg:$0x3] =	wrdreg s5  }
0xaa: {  	[dreg:$0x4] =	wrdreg $0xC0  }
0xab: {  	_ =	task [dreg:s7], $0x5FFFF  }
0xac: {  	[dreg:$0x1] =	wrdreg $0xFFFFFFFF  }
0xad: {  	[dreg:$0x0] =	wrdreg $0x60  }
0xae: {  	[dreg:$0x2] =	wrdreg s2  }
0xaf: {  	[dreg:$0x3] =	wrdreg s24  }
0xb0: {  	[dreg:$0x4] =	wrdreg $0x80800  }
0xb1: {  	[dreg:$0x5] =	wrdreg $0x9  }
0xb2: {  	_ =	task.clear_ibuf [dreg:s7], $0x6FFFF;
	_ =	strace $0x90000046  }
0xb3: {  	s29 =	simm.s32 $0x9;
	_ =	strace $0x80000048  }
0xb4: {  	_ =	swait.ge [sflag:s29], $0x1  }
0xb5: {  	[sflag:s29] =	ssyncadd.s32 $0xFFFFFFFF  }
0xb6: {  	_ =	strace $0x90000048  }
0xb7: {  	_ =	sfence  }
0xb8: {  	s30 =	sld [smem:$0x0];
	_ =	sdelay $0x2  }
0xb9: {  	s31 =	sshll.u32 s1, $0xD;
	s1 =	sshrl.u32 s1, $0x2  }
0xba: {  	s3 =	sand.u32 $0x4000, s31;
	s1 =	sadd.s32 s1, s30  }
0xbb: {  	s0 =	sor.u32 s3, s0;
	s1 =	sshll.u32 s1, $0x11  }
0xbc: {  	s0 =	sor.u32 s1, s0  }
0xbd: {  	s0 =	sadd.s32 $0x8F2B, s0  }
0xbe: {  	[sflag:s0] =	ssyncadd.remote.s32 $0x1  }
0xbf: {  	_ =	sfence.sel $0xFFFF  }
0xc0: {  	[dreg:$0x0] =	wrdreg $0xFFFFFFFF;
	(pc) =	sbr.abs _section_cstart, $3  }
0xc1: {  	[dreg:$0x1] =	wrdreg $0xFFFFFFFF  }
0xc2: {  	_ =	task.clear_ibuf [dreg:s7], $0x2FFFF;
	_ =	strace $0x9FFFFFFF  }
0xc3: {  	(tm) =	ssettm $0x7FFFFFFF  }
tec
execute0_lowered:
.L_overlay_start_1:
0x0: {  	(tag) =	ssettag $0x1  }
0x1: {  	s10 =	rddreg [dreg:$0x0]  }
0x2: {  	s4 =	rddreg [dreg:$0x1];
	s0 =	srdreg.scid  }
0x3: {  	s2 =	rddreg [dreg:$0x2];
	s1 =	stileid.u32  }
0x4: {  	s3 =	simm.s32 $0x0;
	s13 =	simm.s32 $0x1;
	s6 =	smul.u32 $0x13C00, s1  }
0x5: {  	s14 =	simm.s32 $0x80;
	s17 =	simm.s32 $0x0;
	s7 =	smul.u32 $0x4F000, s1  }
0x6: {  	s8 =	sand.u32 $0x1, s0;
	s0 =	rddreg [dreg:$0x3];
	s11 =	smul.u32 $0x9E0, s1  }
0x7: {  	[smem:$0x7FF] =	sst s3;
	s15 =	sshll.u32 s1, $0x6;
	s5 =	smul.u32 $0x13C000, s8  }
0x8: {  	_ =	strace $0x80000047;
	s29 =	ssub.s32 $0x2, s8;
	s12 =	smul.u32 $0x4F0, s8  }
0x9: {  	s15 =	sor.u32 $0x1C01, s15;
	s7 =	sshrl.u32 s7, $0x2;
	s30 =	sshrl.u32 s29, $0x1  }
0xa: {  	s11 =	sadd.s32 s11, s10;
	s5 =	sadd.s32 s6, s5;
	s31 =	ssub.s32 s29, s30  }
0xb: {  	s11 =	sadd.s32 s12, s11;
	s12 =	simm.s32 $0x4080;
	s5 =	sshrl.u32 s5, $0x3  }
0xc: {  	s9 =	sadd.s32 s5, s4;
	s4 =	sadd.s32 s7, s2;
	s7 =	smax.u32 s31, $0x1  }
0xd: {  	s5 =	sadd.s32 $0x10000, s4;
	s6 =	sadd.s32 $0x2600, s9;
	s8 =	sadd.s32 $0x4000, s4  }
0xe: {  	v0 =	vimm.f32 $1.000000000e+00;
	v1 =	vimm.f32 $0.0e+00;
	s9 =	sadd.s32 $0x8000, s4;
	s10 =	sadd.s32 $0xC000, s4;
	s16 =	sshrl.u32 s4, $0x3  }
.LBB2_1:
0xf: {  	s18 =	simm.s32 $0x200;
	s19 =	simm.s32 $0x0  }
.LBB2_2:
0x10: {  	p0 =	sne.s32 s18, $0xFE00;
	[tilespmem:s19+$0x80] =	vst v0;
	s20 =	smov.u32 s18;
	s18 =	sadd.s32 $0x200, s18  }
.Ltmp0:
0x11: {  	[tilespmem:s19+$0x4080] =	vst v1;
	(pc) =	sbr.rel @p0 .LBB2_2-.Ltmp0, $2  }
0x12: {  	_ =	sdelay $0x2  }
0x13: {  	s19 =	sshra.s32 s20, $0x2  }
0x14: {  	[tilespmem:s19+$0x80] =	vst v0  }
0x15: {  	[tilespmem:s19+$0x4080] =	vst v1  }
0x16: {  	[spmem:s4] =	stream.linear.scatter [tilespmem:s12], [sflag:$0x1], $0x4000, $0x38;
	[tilespmem:$0xA800] =	vst v63  }
0x17: {  	_ =	swait.ge [sflag:s13], $0x4000  }
0x18: {  	[sflag:s13] =	ssyncset.done $0x0  }
0x19: {  	[sflag:s13] =	ssyncadd.s32 $0xFFFFC000  }
0x1a: {  	[spmem:s8] =	stream.linear.scatter [tilespmem:s12], [sflag:$0x1], $0x4000, $0x38;
	[tilespmem:$0xA800] =	vst v63  }
0x1b: {  	_ =	swait.ge [sflag:s13], $0x4000  }
0x1c: {  	[sflag:s13] =	ssyncset.done $0x0  }
0x1d: {  	[sflag:s13] =	ssyncadd.s32 $0xFFFFC000  }
0x1e: {  	[spmem:s9] =	stream.linear.scatter [tilespmem:s12], [sflag:$0x1], $0x4000, $0x38;
	[tilespmem:$0xA800] =	vst v63  }
0x1f: {  	_ =	swait.ge [sflag:s13], $0x4000  }
0x20: {  	[sflag:s13] =	ssyncset.done $0x0  }
0x21: {  	[sflag:s13] =	ssyncadd.s32 $0xFFFFC000  }
0x22: {  	[spmem:s10] =	stream.linear.scatter [tilespmem:s12], [sflag:$0x1], $0x4000, $0x38;
	[tilespmem:$0xA800] =	vst v63  }
0x23: {  	_ =	swait.ge [sflag:s13], $0x4000  }
0x24: {  	[sflag:s13] =	ssyncset.done $0x0  }
0x25: {  	[sflag:s13] =	ssyncadd.s32 $0xFFFFC000  }
0x26: {  	[spmem:s5] =	stream.linear.scatter [tilespmem:s12], [sflag:$0x1], $0x3C00, $0x38;
	[tilespmem:$0xA800] =	vst v63  }
0x27: {  	_ =	swait.ge [sflag:s13], $0x3C00  }
0x28: {  	[sflag:s13] =	ssyncset.done $0x0  }
0x29: {  	[sflag:s13] =	ssyncadd.s32 $0xFFFFC400  }
0x2a: {  	s18 =	sadd.s32 $0x0, s11;
	[bflag:$0x0] =	sbarrier.arrive $0xFFFF  }
0x2b: {  	[tilespmem:s3], [sflag:$0x1] =	stream.linear.gather [hbm4b:s18+s3], $0x80, $0x38;
	[tilespmem:$0xA800] =	vst v63  }
0x2c: {  	_ =	swait.ge [sflag:s13], $0x80  }
0x2d: {  	[sflag:s13] =	ssyncset.done $0x0  }
0x2e: {  	[sflag:s13] =	ssyncadd.s32 $0xFFFFFF80  }
0x2f: {  	[spmem:s2] =	stream.indirect.scatter.add.f32 [tilespmem:s14], [sflag:$0x1], $0x10, s3, s14, $0xb8;
	[tilespmem:$0xA800] =	vst v63  }
0x30: {  	_ =	swait.ge [sflag:s13], $0x800  }
0x31: {  	s19 =	simm.s32 $0x20;
	s18 =	simm.s32 $0x10;
	[sflag:s13] =	ssyncset.done $0x0  }
.LBB2_4:
0x32: {  	s20 =	sadd.s32 s18, s11  }
0x33: {  	[sflag:s13] =	ssyncadd.s32 $0xFFFFF800;
	s18 =	smov.u32 s19;
	s21 =	sadd.s32 $0x10, s19  }
0x34: {  	[tilespmem:s3], [sflag:$0x1] =	stream.linear.gather [hbm4b:s20+s3], $0x80, $0x38;
	[tilespmem:$0xA800] =	vst v63  }
0x35: {  	p0 =	sne.s32 s19, $0x4E0;
	_ =	swait.ge [sflag:s13], $0x80  }
.Ltmp1:
0x36: {  	[sflag:s13] =	ssyncset.done $0x0;
	(pc) =	sbr.rel @p0 .LBB2_4-.Ltmp1, $4  }
0x37: {  	[sflag:s13] =	ssyncadd.s32 $0xFFFFFF80  }
0x38: {  	[spmem:s2] =	stream.indirect.scatter.add.f32 [tilespmem:s14], [sflag:$0x1], $0x10, s3, s14, $0xb8;
	[tilespmem:$0xA800] =	vst v63  }
0x39: {  	_ =	swait.ge [sflag:s13], $0x800  }
0x3a: {  	s19 =	smov.u32 s21;
	[sflag:s13] =	ssyncset.done $0x0  }
0x3b: {  	s18 =	sadd.s32 s18, s11;
	[sflag:s13] =	ssyncadd.s32 $0xFFFFF800  }
0x3c: {  	[tilespmem:s3], [sflag:$0x1] =	stream.linear.gather [hbm4b:s18+s3], $0x80, $0x38;
	[tilespmem:$0xA800] =	vst v63  }
0x3d: {  	_ =	swait.ge [sflag:s13], $0x80  }
0x3e: {  	[sflag:s13] =	ssyncset.done $0x0  }
0x3f: {  	[sflag:s13] =	ssyncadd.s32 $0xFFFFFF80  }
0x40: {  	[spmem:s2] =	stream.indirect.scatter.add.f32 [tilespmem:s14], [sflag:$0x1], $0x10, s3, s14, $0xb8;
	[tilespmem:$0xA800] =	vst v63  }
0x41: {  	_ =	swait.ge [sflag:s13], $0x800  }
0x42: {  	s17 =	sadd.s32 $0x1, s17;
	[sflag:s13] =	ssyncset.done $0x0  }
0x43: {  	p0 =	sne.s32 s17, s7;
	[sflag:s13] =	ssyncadd.s32 $0xFFFFF800  }
.Ltmp2:
0x44: {  	[bflag:$0x0] =	sbarrier.arrive $0xFFFF;
	(pc) =	sbr.rel @p0 .LBB2_1-.Ltmp2, $4  }
0x45: {  	[hbm:s6], [sflag:s15] =	dma.local [spmem:s16], $0x2780  }
0x46: {  	_ =	swait.ge [sflag:s13], $0x2780  }
0x47: {  	[sflag:s13] =	ssyncset.done $0x0  }
0x48: {  	[sflag:s13] =	ssyncadd.s32 $0xFFFFD880  }
0x49: {  	_ =	sfence.sel $0x180000  }
0x4a: {  	[bflag:$0x0] =	sbarrier.arrive $0xFFFF  }
0x4b: {  	p0 =	sne.s32 s1, $0x0;
	_ =	strace $0x90000047  }
0x4c: {  	s0 =	sadd.s32 @!p0 $0x100000, s0;
	[bflag:$0x2] =	sbarrier.arrive $0xFFFF  }
0x4d: {  	[sflag:s0] =	ssyncadd.tile.s32 @!p0 $0x1;
	_ =	shalt  }
.Lfunc_end2:
_tile_overlayer_lowered:
.L_overlay_start_2:
0x4e: {  	(tag) =	ssettag $0x2  }
0x4f: {  	s0 =	rddreg [dreg:$0x0];
	s2 =	stileid.u32  }
0x50: {  	s1 =	rddreg [dreg:$0x1];
	p0 =	sne.s32 s2, $0x0  }
0x51: {  	s3 =	rddreg [dreg:$0x2];
	[bflag:$0x3] =	sbarrier.arrive $0xFFFF;
	s2 =	simm.s32 @!p0 $0x1C01  }
0x52: {  	[timem:s3], [sflag:s2] =	dma.local @!p0 [hbm:s0], s1  }
0x53: {  	s0 =	simm.s32 @!p0 $0x1  }
0x54: {  	_ =	swait.ge @!p0 [sflag:s0], s1  }
0x55: {  	s1 =	ssub.s32 @!p0 $0x0, s1;
	[sflag:s0] =	ssyncset.done @!p0 $0x0  }
0x56: {  	[sflag:s0] =	ssyncadd.s32 @!p0 s1  }
0x57: {  	[bflag:$0x3] =	sbarrier.arrive $0xFFFF  }
0x58: {  	_ =	shalt  }

</sc_bundles>
